<compile_context>
chip_gen: v7x
topology: tpu7x:2x2x1
jax: 0.10.2.dev20260603
libtpu: 0.0.44.dev20260713+nightly
codegen_flags: <defaults>
</compile_context>

<pallas_src>
import functools

import jax
import jax.numpy as jnp
from jax import lax
from jax.experimental import pallas as pl
from jax.experimental.pallas import tpu as pltpu
from jax.experimental.pallas import tpu_sc as plsc

B, D, T = 16, 256, 1024
P = 64
PW = 128
K = 1024
N = B * T
EPS = 1e-5
BN_EPS = 1e-5

TT = 512
NTT = T // TT
G = B * NTT
NW = 32
RPW = N // NW
CHUNK = 128
NCH = RPW // CHUNK

_F32 = jnp.float32
_HI = lax.Precision.HIGHEST


def _dot(a, b, dims, precision=None):
    return lax.dot_general(a, b, (dims, ((), ())), precision=precision,
                           preferred_element_type=_F32)


def _k1_body(x_ref, w_ref, b_ref, hraw_ref, bn2_ref, acc_ref):
    i = pl.program_id(0)
    xt = x_ref[0]
    hr = _dot(w_ref[...], xt, ((1,), (0,))) + b_ref[...]
    hraw_ref[0] = hr
    s = jnp.sum(hr, axis=1, keepdims=True)
    s2 = jnp.sum(hr * hr, axis=1, keepdims=True)
    st = jnp.concatenate([s, s2], axis=1)

    @pl.when(i == 0)
    def _():
        acc_ref[...] = st

    @pl.when(i != 0)
    def _():
        acc_ref[...] += st

    @pl.when(i == B - 1)
    def _():
        bn2_ref[...] = acc_ref[...]


def _run_k1(x, w_in, b_in2):
    return pl.pallas_call(
        _k1_body,
        grid=(B,),
        in_specs=[
            pl.BlockSpec((1, D, T), lambda i: (i, 0, 0)),
            pl.BlockSpec((P, D), lambda i: (0, 0)),
            pl.BlockSpec((P, 1), lambda i: (0, 0)),
        ],
        out_specs=[
            pl.BlockSpec((1, P, T), lambda i: (i, 0, 0)),
            pl.BlockSpec((P, 2), lambda i: (0, 0)),
        ],
        out_shape=[
            jax.ShapeDtypeStruct((B, P, T), _F32),
            jax.ShapeDtypeStruct((P, 2), _F32),
        ],
        scratch_shapes=[pltpu.VMEM((P, 2), _F32)],
    )(x, w_in, b_in2)


def _k2_body(hraw_ref, bn2_ref, gin_ref, betin_ref, emb_ref,
             xperm_ref, hflat_ref, idx_ref, mean_s, rstd_s, se_s):
    i = pl.program_id(0)

    @pl.when(i == 0)
    def _():
        m = bn2_ref[:, 0:1] * (1.0 / N)
        m2 = bn2_ref[:, 1:2] * (1.0 / N)
        var = m2 - m * m
        mean_s[...] = m
        rstd_s[...] = jnp.sqrt(var + BN_EPS)
        e = emb_ref[...]
        se_s[...] = jnp.sum(e * e, axis=1, keepdims=True)

    hr = hraw_ref[0]
    h = (hr - mean_s[...]) / rstd_s[...] * gin_ref[...] + betin_ref[...]
    xperm_ref[0] = h
    hflat_ref[...] = jnp.concatenate(
        [h.T, jnp.ones((T, 1), _F32),
         jnp.zeros((T, PW - P - 1), _F32)], axis=1)

    sx = jnp.sum(h * h, axis=0, keepdims=True)
    prod = _dot(emb_ref[...], h, ((1,), (0,)))
    dist = (sx + se_s[...]) - 2.0 * prod
    minv = jnp.min(dist, axis=0, keepdims=True)
    iot = lax.broadcasted_iota(jnp.int32, (K, T), 0)
    sel = jnp.where(dist == minv, iot, K)
    idx_ref[0] = jnp.min(sel, axis=0, keepdims=True)


def _run_k2(hraw, bn2, gin2, betin2, emb):
    return pl.pallas_call(
        _k2_body,
        grid=(B,),
        in_specs=[
            pl.BlockSpec((1, P, T), lambda i: (i, 0, 0)),
            pl.BlockSpec((P, 2), lambda i: (0, 0)),
            pl.BlockSpec((P, 1), lambda i: (0, 0)),
            pl.BlockSpec((P, 1), lambda i: (0, 0)),
            pl.BlockSpec((K, P), lambda i: (0, 0)),
        ],
        out_specs=[
            pl.BlockSpec((1, P, T), lambda i: (i, 0, 0)),
            pl.BlockSpec((T, PW), lambda i: (i, 0)),
            pl.BlockSpec((1, 1, T), lambda i: (i, 0, 0)),
        ],
        out_shape=[
            jax.ShapeDtypeStruct((B, P, T), _F32),
            jax.ShapeDtypeStruct((N, PW), _F32),
            jax.ShapeDtypeStruct((B, 1, T), jnp.int32),
        ],
        scratch_shapes=[
            pltpu.VMEM((P, 1), _F32), pltpu.VMEM((P, 1), _F32),
            pltpu.VMEM((K, 1), _F32),
        ],
    )(hraw, bn2, gin2, betin2, emb)


def _k3_body(idx_hbm, hflat_hbm, z_hbm, emb_hbm, dw_hbm, q_hbm,
             idx_v, x_v, dwsh, sem):
    c = lax.axis_index("c")
    s = lax.axis_index("s")
    wid = s * 2 + c

    @pl.when(s == 0)
    def _():
        pltpu.sync_copy(z_hbm, dwsh)
    plsc.subcore_barrier()
    pltpu.sync_copy(hflat_hbm.at[pl.ds(wid * RPW, RPW)], x_v)
    for j in range(NCH):
        pltpu.sync_copy(idx_hbm.at[wid, j], idx_v)
        pltpu.sync_copy(x_v.at[pl.ds(j * CHUNK, CHUNK)],
                        dwsh.at[idx_v], add=True)
    for j in range(NCH):
        pltpu.sync_copy(idx_hbm.at[wid, j], idx_v)
        pltpu.async_copy(emb_hbm.at[idx_v],
                         x_v.at[pl.ds(j * CHUNK, CHUNK)], sem).wait()
    pltpu.sync_copy(x_v, q_hbm.at[pl.ds(wid * RPW, RPW)])
    plsc.subcore_barrier()

    @pl.when(s == 0)
    def _():
        pltpu.sync_copy(dwsh, dw_hbm.at[c])


def _make_k3():
    mesh = plsc.VectorSubcoreMesh(core_axis_name="c", subcore_axis_name="s")
    return functools.partial(
        pl.kernel,
        mesh=mesh,
        out_type=[
            jax.ShapeDtypeStruct((2, K, PW), _F32),
            jax.ShapeDtypeStruct((N, PW), _F32),
        ],
        scratch_types=[
            pltpu.VMEM((CHUNK,), jnp.int32),
            pltpu.VMEM((RPW, PW), _F32),
            pltpu.VMEM_SHARED((K, PW), _F32),
            pltpu.SemaphoreType.DMA,
        ],
    )(_k3_body)


def _k4_body(q_ref, wout_ref, bout_ref, gout_ref, betout_ref,
             dwp_ref, emb_ref, out_ref, qt_ref, ne_ref, mean_s, ivg_s):
    i = pl.program_id(0)

    @pl.when(i == 0)
    def _():
        e = emb_ref[...]
        cnt = dwp_ref[0, :, P:P + 1] + dwp_ref[1, :, P:P + 1]
        ec = e * cnt
        qsum = jnp.sum(ec, axis=0, keepdims=True)
        q2 = _dot(ec, e, ((0,), (0,)), _HI)
        gq = _dot(wout_ref[...], q2, ((1,), (0,)), _HI)
        es2 = jnp.sum(gq * wout_ref[...], axis=1, keepdims=True) * (1.0 / N)
        s1 = _dot(wout_ref[...], qsum, ((1,), (1,)), _HI) * (1.0 / N)
        bo = bout_ref[...]
        m = s1 + bo
        eo2 = es2 + 2.0 * bo * s1 + bo * bo
        var = eo2 - m * m
        inv = 1.0 / jnp.sqrt(var + BN_EPS)
        mean_s[...] = m
        ivg_s[...] = inv * gout_ref[...]

    q = q_ref[...][:, :P]
    o = _dot(wout_ref[...], q, ((1,), (1,))) + bout_ref[...]
    out_ref[0] = (o - mean_s[...]) * ivg_s[...] + betout_ref[...]
    qt_ref[0] = q.T

    @pl.when(i == B - 1)
    def _():
        om = jnp.float32(1.0 - 0.99)
        tot = dwp_ref[0] + dwp_ref[1]
        dw = tot[:, :P]
        cs = tot[:, P:P + 1] * om / om
        n = jnp.sum(cs)
        sm = (cs + EPS) / (n + K * EPS) * n
        ne_ref[...] = (dw * om / om) / sm


def _run_k4(q_flat, wout, bout2, gout2, betout2, dw_part, emb):
    return pl.pallas_call(
        _k4_body,
        grid=(B,),
        in_specs=[
            pl.BlockSpec((T, PW), lambda i: (i, 0)),
            pl.BlockSpec((D, P), lambda i: (0, 0)),
            pl.BlockSpec((D, 1), lambda i: (0, 0)),
            pl.BlockSpec((D, 1), lambda i: (0, 0)),
            pl.BlockSpec((D, 1), lambda i: (0, 0)),
            pl.BlockSpec((2, K, PW), lambda i: (0, 0, 0)),
            pl.BlockSpec((K, P), lambda i: (0, 0)),
        ],
        out_specs=[
            pl.BlockSpec((1, D, T), lambda i: (i, 0, 0)),
            pl.BlockSpec((1, P, T), lambda i: (i, 0, 0)),
            pl.BlockSpec((K, P), lambda i: (0, 0)),
        ],
        out_shape=[
            jax.ShapeDtypeStruct((B, D, T), _F32),
            jax.ShapeDtypeStruct((B, P, T), _F32),
            jax.ShapeDtypeStruct((K, P), _F32),
        ],
        scratch_shapes=[pltpu.VMEM((D, 1), _F32), pltpu.VMEM((D, 1), _F32)],
    )(q_flat, wout, bout2, gout2, betout2, dw_part, emb)


def kernel(x, w_in, b_in, bn_in_gamma, bn_in_beta, w_out, b_out,
           bn_out_gamma, bn_out_beta, embeddings):
    b_in2 = b_in.reshape(P, 1)
    gin2 = bn_in_gamma.reshape(P, 1)
    betin2 = bn_in_beta.reshape(P, 1)
    bout2 = b_out.reshape(D, 1)
    gout2 = bn_out_gamma.reshape(D, 1)
    betout2 = bn_out_beta.reshape(D, 1)

    hraw, bn2 = _run_k1(x, w_in, b_in2)
    x_perm, hflat, idx = _run_k2(hraw, bn2, gin2, betin2, embeddings)
    idx3 = idx.reshape(NW, NCH, CHUNK)
    zeros = jnp.zeros((K, PW), _F32)
    emb128 = jnp.concatenate([embeddings, jnp.zeros((K, PW - P), _F32)], axis=1)
    dw_part, q_flat = _make_k3()(idx3, hflat, zeros, emb128)
    out, qt, new_emb = _run_k4(q_flat, w_out, bout2, gout2, betout2,
                               dw_part, embeddings)
    return (out, x_perm, qt, new_emb)

# --- scband reference (transcript-rebuilt; emitter-appended) ---
"""Pipeline reference for scband-vector-quantizer-emaproject1-d-38654705664776 (READ-ONLY COPY).

The authoritative reference and input builder live on the scoring server;
editing this copy changes nothing except your own understanding.
"""

import jax, jax.numpy as jnp
import numpy as np

B, D, T = 16, 256, 1024
P = 64
K = 1024
EPS = 1e-5
BN_EPS = 1e-5

def setup_inputs(seed: int = 0) -> dict:
    key = jax.random.key(seed)
    ks = jax.random.split(key, 8)
    x = jax.random.normal(ks[0], (B, D, T), dtype=jnp.float32)
    # proj_in: Conv1d(D->P, k=1) + BatchNorm1d(P)
    w_in = jax.random.normal(ks[1], (P, D), dtype=jnp.float32) * (1.0 / np.sqrt(D))
    b_in = jnp.zeros((P,), dtype=jnp.float32)
    bn_in_gamma = jnp.ones((P,), dtype=jnp.float32)
    bn_in_beta = jnp.zeros((P,), dtype=jnp.float32)
    # proj_out: Conv1d(P->D, k=1) + BatchNorm1d(D)
    w_out = jax.random.normal(ks[2], (D, P), dtype=jnp.float32) * (1.0 / np.sqrt(P))
    b_out = jnp.zeros((D,), dtype=jnp.float32)
    bn_out_gamma = jnp.ones((D,), dtype=jnp.float32)
    bn_out_beta = jnp.zeros((D,), dtype=jnp.float32)
    # codebook: xavier_uniform over (K, P)
    limit = np.sqrt(6.0 / (K + P))
    embeddings = jax.random.uniform(ks[3], (K, P), dtype=jnp.float32, minval=-limit, maxval=limit)
    return {
        "x": x,
        "w_in": w_in, "b_in": b_in,
        "bn_in_gamma": bn_in_gamma, "bn_in_beta": bn_in_beta,
        "w_out": w_out, "b_out": b_out,
        "bn_out_gamma": bn_out_gamma, "bn_out_beta": bn_out_beta,
        "embeddings": embeddings,
    }

def _conv1x1(x, w, b):
    # x: [B, Cin, T], w: [Cout, Cin], b: [Cout]
    y = jnp.einsum('bct,oc->bot', x, w) + b[None, :, None]
    return y

def _batchnorm1d(x, gamma, beta):
    # training-mode batch norm over (B, T) per channel; x: [B, C, T]
    mean = jnp.mean(x, axis=(0, 2), keepdims=True)
    var = jnp.var(x, axis=(0, 2), keepdims=True)
    xn = (x - mean) / jnp.sqrt(var + BN_EPS)
    return xn * gamma[None, :, None] + beta[None, :, None]

def reference(x, w_in, b_in, bn_in_gamma, bn_in_beta, w_out, b_out, bn_out_gamma, bn_out_beta, embeddings):
    # proj_in
    h = _conv1x1(x, w_in, b_in)
    h = _batchnorm1d(h, bn_in_gamma, bn_in_beta)  # [B, P, T]
    h = jnp.transpose(h, (0, 2, 1))  # [B, T, P]
    flat_x = h.reshape(-1, P)  # [B*T, P]
    # nearest codebook indices
    distances = (jnp.sum(flat_x ** 2, axis=1, keepdims=True)
                 + jnp.sum(embeddings ** 2, axis=1)[None, :]
                 - 2.0 * flat_x @ embeddings.T)
    encoding_indices = jnp.argmin(distances, axis=1)  # [B*T]
    quantized = jnp.take(embeddings, encoding_indices, axis=0)  # [B*T, P]
    quantized = quantized.reshape(h.shape)  # [B, T, P]
    # EMA update (first step: counter=1, hidden starts at 0)
    decay = 0.99
    encodings_sum = jnp.zeros((K,), dtype=jnp.float32).at[encoding_indices].add(1.0)
    hidden_cs = -(0.0 - encodings_sum) * (1 - decay)
    updated_ema_cluster_size = hidden_cs / (1 - decay ** 1)
    n = jnp.sum(updated_ema_cluster_size)
    updated_ema_cluster_size = (updated_ema_cluster_size + EPS) / (n + K * EPS) * n
    dw = jnp.zeros((K, P), dtype=jnp.float32).at[encoding_indices].add(flat_x)
    hidden_dw = -(0.0 - dw) * (1 - decay)
    updated_ema_dw = hidden_dw / (1 - decay ** 1)
    new_embeddings = updated_ema_dw / updated_ema_cluster_size[:, None]
    # straight-through
    quantized_st = h + jax.lax.stop_gradient(quantized - h)
    quantized_st = jnp.transpose(quantized_st, (0, 2, 1))  # [B, P, T]
    x_perm = jnp.transpose(h, (0, 2, 1))  # [B, P, T]
    out = _conv1x1(quantized_st, w_out, b_out)
    out = _batchnorm1d(out, bn_out_gamma, bn_out_beta)
    return (out, x_perm, jax.lax.stop_gradient(jnp.transpose(quantized, (0, 2, 1))), new_embeddings)

if __name__ == "__main__":
    import jax
    _d = setup_inputs()
    print(jax.jit(kernel)(*tuple(_d.values())))

</pallas_src>

<mosaic_0001>
#map = affine_map<(d0, d1) -> (0, 0, 0)>
#map1 = affine_map<(d0, d1) -> (0, 0)>
module attributes {stable_mosaic.version = 14 : i64} {
  func.func @_k3_body(%arg0: i32, %arg1: i32, %arg2: memref<32x4x128xi32, #tpu.memory_space<hbm>>, %arg3: memref<16384x128xf32, #tpu.memory_space<hbm>>, %arg4: memref<1024x128xf32, #tpu.memory_space<hbm>>, %arg5: memref<1024x128xf32, #tpu.memory_space<hbm>>, %arg6: memref<2x1024x128xf32, #tpu.memory_space<hbm>>, %arg7: memref<16384x128xf32, #tpu.memory_space<hbm>>, %arg8: memref<128xi32, #tpu.memory_space<vmem>>, %arg9: memref<512x128xf32, #tpu.memory_space<vmem>>, %arg10: memref<1024x128xf32, #tpu.memory_space<vmem_shared>>, %arg11: memref<!tpu.dma_semaphore, #tpu.memory_space<semaphore_mem>>) attributes {dimension_semantics = [#tpu.dimension_semantics<core_parallel>, #tpu.dimension_semantics<subcore_parallel>], iteration_bounds = array<i64: 2, 16>, scalar_prefetch = 0 : i64, scratch_operands = 4 : i64, tpu.core_type = #tpu.core_type<sc_vector_subcore>, window_params = [{transform_indices = #map}, {transform_indices = #map1}, {transform_indices = #map1}, {transform_indices = #map1}, {transform_indices = #map}, {transform_indices = #map1}]} {
    %mul3A = arith.constant 2 : i32
    %mul3A_0 = arith.muli %arg1, %mul3A : i32
    %add3A = arith.addi %mul3A_0, %arg0 : i32
    %eq3A = arith.constant 0 : i32
    %eq3A_1 = arith.cmpi eq, %arg1, %eq3A : i32
    %convert_element_type3A = arith.extui %eq3A_1 : i1 to i32
    %cond3A = arith.constant 0 : i32
    %cond3A_2 = arith.cmpi ne, %convert_element_type3A, %cond3A : i32
    scf.if %cond3A_2 {
      "tpu.region"() ({
        %run_scoped3A_66 = tpu.sem_alloc : memref<!tpu.dma_semaphore, #tpu.memory_space<semaphore_mem>>
        tpu.enqueue_dma source(%arg4 : memref<1024x128xf32, #tpu.memory_space<hbm>>) target(%arg10 : memref<1024x128xf32, #tpu.memory_space<vmem_shared>>) target_semaphore(%run_scoped3A_66 : memref<!tpu.dma_semaphore, #tpu.memory_space<semaphore_mem>>)
        tpu.wait_dma2 semaphore(%run_scoped3A_66 : memref<!tpu.dma_semaphore, #tpu.memory_space<semaphore_mem>>) src(%arg4 : memref<1024x128xf32, #tpu.memory_space<hbm>>) dst(%arg10 : memref<1024x128xf32, #tpu.memory_space<vmem_shared>>)
        tpu.yield
      }) : () -> ()
    } else {
    }
    %barrier3A = arith.constant 0 : index
    tpu.barrier barrier_id(%barrier3A)
    %mul3A_3 = arith.constant 512 : i32
    %mul3A_4 = arith.muli %add3A, %mul3A_3 : i32
    "tpu.region"() ({
      %run_scoped3A_66 = tpu.sem_alloc : memref<!tpu.dma_semaphore, #tpu.memory_space<semaphore_mem>>
      %dma_start3A_67 = arith.constant 0 : i32
      %dma_start3A_68 = tpu.memref_slice %arg3[%mul3A_4, %dma_start3A_67] : memref<16384x128xf32, #tpu.memory_space<hbm>> -> memref<512x128xf32, #tpu.memory_space<hbm>>
      %dma_start3A_69 = arith.constant 0 : i32
      %dma_start3A_70 = tpu.memref_slice %arg3[%mul3A_4, %dma_start3A_69] : memref<16384x128xf32, #tpu.memory_space<hbm>> -> memref<512x128xf32, #tpu.memory_space<hbm>>
      tpu.enqueue_dma source(%dma_start3A_70 : memref<512x128xf32, #tpu.memory_space<hbm>>) target(%arg9 : memref<512x128xf32, #tpu.memory_space<vmem>>) target_semaphore(%run_scoped3A_66 : memref<!tpu.dma_semaphore, #tpu.memory_space<semaphore_mem>>)
      %dma_wait3A_71 = arith.constant 0 : i32
      %dma_wait3A_72 = tpu.memref_slice %arg3[%mul3A_4, %dma_wait3A_71] : memref<16384x128xf32, #tpu.memory_space<hbm>> -> memref<512x128xf32, #tpu.memory_space<hbm>>
      %dma_wait3A_73 = arith.constant 0 : i32
      %dma_wait3A_74 = tpu.memref_slice %arg3[%mul3A_4, %dma_wait3A_73] : memref<16384x128xf32, #tpu.memory_space<hbm>> -> memref<512x128xf32, #tpu.memory_space<hbm>>
      tpu.wait_dma2 semaphore(%run_scoped3A_66 : memref<!tpu.dma_semaphore, #tpu.memory_space<semaphore_mem>>) src(%dma_wait3A_74 : memref<512x128xf32, #tpu.memory_space<hbm>>) dst(%arg9 : memref<512x128xf32, #tpu.memory_space<vmem>>)
      tpu.yield
    }) : () -> ()
    %run_scoped3A = arith.constant 0 : i32
    "tpu.region"() ({
      %run_scoped3A_66 = tpu.sem_alloc : memref<!tpu.dma_semaphore, #tpu.memory_space<semaphore_mem>>
      %dma_start3A_67 = arith.constant 0 : i32
      %dma_start3A_68 = tpu.memref_slice %arg2[%add3A, %run_scoped3A, %dma_start3A_67] : memref<32x4x128xi32, #tpu.memory_space<hbm>> -> memref<1x1x128xi32, #tpu.memory_space<hbm>>
      %dma_start3A_69 = tpu.memref_squeeze %dma_start3A_68 : memref<1x1x128xi32, #tpu.memory_space<hbm>> -> memref<128xi32, #tpu.memory_space<hbm>>
      %dma_start3A_70 = arith.constant 0 : i32
      %dma_start3A_71 = tpu.memref_slice %arg2[%add3A, %run_scoped3A, %dma_start3A_70] : memref<32x4x128xi32, #tpu.memory_space<hbm>> -> memref<1x1x128xi32, #tpu.memory_space<hbm>>
      %dma_start3A_72 = tpu.memref_squeeze %dma_start3A_71 : memref<1x1x128xi32, #tpu.memory_space<hbm>> -> memref<128xi32, #tpu.memory_space<hbm>>
      tpu.enqueue_dma source(%dma_start3A_72 : memref<128xi32, #tpu.memory_space<hbm>>) target(%arg8 : memref<128xi32, #tpu.memory_space<vmem>>) target_semaphore(%run_scoped3A_66 : memref<!tpu.dma_semaphore, #tpu.memory_space<semaphore_mem>>)
      %dma_wait3A_73 = arith.constant 0 : i32
      %dma_wait3A_74 = tpu.memref_slice %arg2[%add3A, %run_scoped3A, %dma_wait3A_73] : memref<32x4x128xi32, #tpu.memory_space<hbm>> -> memref<1x1x128xi32, #tpu.memory_space<hbm>>
      %dma_wait3A_75 = tpu.memref_squeeze %dma_wait3A_74 : memref<1x1x128xi32, #tpu.memory_space<hbm>> -> memref<128xi32, #tpu.memory_space<hbm>>
      %dma_wait3A_76 = arith.constant 0 : i32
      %dma_wait3A_77 = tpu.memref_slice %arg2[%add3A, %run_scoped3A, %dma_wait3A_76] : memref<32x4x128xi32, #tpu.memory_space<hbm>> -> memref<1x1x128xi32, #tpu.memory_space<hbm>>
      %dma_wait3A_78 = tpu.memref_squeeze %dma_wait3A_77 : memref<1x1x128xi32, #tpu.memory_space<hbm>> -> memref<128xi32, #tpu.memory_space<hbm>>
      tpu.wait_dma2 semaphore(%run_scoped3A_66 : memref<!tpu.dma_semaphore, #tpu.memory_space<semaphore_mem>>) src(%dma_wait3A_78 : memref<128xi32, #tpu.memory_space<hbm>>) dst(%arg8 : memref<128xi32, #tpu.memory_space<vmem>>)
      tpu.yield
    }) : () -> ()
    "tpu.region"() ({
      %run_scoped3A_66 = tpu.sem_alloc : memref<!tpu.dma_semaphore, #tpu.memory_space<semaphore_mem>>
      %dma_start3A_67 = arith.constant 0 : i32
      %dma_start3A_68 = arith.constant 0 : i32
      %dma_start3A_69 = tpu.memref_slice %arg9[%dma_start3A_67, %dma_start3A_68] : memref<512x128xf32, #tpu.memory_space<vmem>> -> memref<128x128xf32, #tpu.memory_space<vmem>>
      %dma_start3A_70 = arith.constant 0 : i32
      %dma_start3A_71 = arith.constant 0 : i32
      %dma_start3A_72 = tpu.memref_slice %arg10[%dma_start3A_70, %dma_start3A_71] : memref<1024x128xf32, #tpu.memory_space<vmem_shared>> -> memref<1024x128xf32, #tpu.memory_space<vmem_shared>>
      tpu.enqueue_indirect_dma source(%dma_start3A_69 : memref<128x128xf32, #tpu.memory_space<vmem>>) target(%dma_start3A_72 : memref<1024x128xf32, #tpu.memory_space<vmem_shared>>) offsets(%arg8 : memref<128xi32, #tpu.memory_space<vmem>>) semaphore(%run_scoped3A_66 : memref<!tpu.dma_semaphore, #tpu.memory_space<semaphore_mem>>) {add = true}
      %dma_wait3A_73 = arith.constant 0 : i32
      %dma_wait3A_74 = arith.constant 0 : i32
      %dma_wait3A_75 = tpu.memref_slice %arg9[%dma_wait3A_73, %dma_wait3A_74] : memref<512x128xf32, #tpu.memory_space<vmem>> -> memref<128x128xf32, #tpu.memory_space<vmem>>
      %dma_wait3A_76 = arith.constant 0 : i32
      %dma_wait3A_77 = arith.constant 0 : i32
      %dma_wait3A_78 = tpu.memref_slice %arg10[%dma_wait3A_76, %dma_wait3A_77] : memref<1024x128xf32, #tpu.memory_space<vmem_shared>> -> memref<1024x128xf32, #tpu.memory_space<vmem_shared>>
      tpu.wait_indirect_dma semaphore(%run_scoped3A_66 : memref<!tpu.dma_semaphore, #tpu.memory_space<semaphore_mem>>) src(%dma_wait3A_75 : memref<128x128xf32, #tpu.memory_space<vmem>>) dst(%dma_wait3A_78 : memref<1024x128xf32, #tpu.memory_space<vmem_shared>>)
      tpu.yield
    }) : () -> ()
    %run_scoped3A_5 = arith.constant 1 : i32
    "tpu.region"() ({
      %run_scoped3A_66 = tpu.sem_alloc : memref<!tpu.dma_semaphore, #tpu.memory_space<semaphore_mem>>
      %dma_start3A_67 = arith.constant 0 : i32
      %dma_start3A_68 = tpu.memref_slice %arg2[%add3A, %run_scoped3A_5, %dma_start3A_67] : memref<32x4x128xi32, #tpu.memory_space<hbm>> -> memref<1x1x128xi32, #tpu.memory_space<hbm>>
      %dma_start3A_69 = tpu.memref_squeeze %dma_start3A_68 : memref<1x1x128xi32, #tpu.memory_space<hbm>> -> memref<128xi32, #tpu.memory_space<hbm>>
      %dma_start3A_70 = arith.constant 0 : i32
      %dma_start3A_71 = tpu.memref_slice %arg2[%add3A, %run_scoped3A_5, %dma_start3A_70] : memref<32x4x128xi32, #tpu.memory_space<hbm>> -> memref<1x1x128xi32, #tpu.memory_space<hbm>>
      %dma_start3A_72 = tpu.memref_squeeze %dma_start3A_71 : memref<1x1x128xi32, #tpu.memory_space<hbm>> -> memref<128xi32, #tpu.memory_space<hbm>>
      tpu.enqueue_dma source(%dma_start3A_72 : memref<128xi32, #tpu.memory_space<hbm>>) target(%arg8 : memref<128xi32, #tpu.memory_space<vmem>>) target_semaphore(%run_scoped3A_66 : memref<!tpu.dma_semaphore, #tpu.memory_space<semaphore_mem>>)
      %dma_wait3A_73 = arith.constant 0 : i32
      %dma_wait3A_74 = tpu.memref_slice %arg2[%add3A, %run_scoped3A_5, %dma_wait3A_73] : memref<32x4x128xi32, #tpu.memory_space<hbm>> -> memref<1x1x128xi32, #tpu.memory_space<hbm>>
      %dma_wait3A_75 = tpu.memref_squeeze %dma_wait3A_74 : memref<1x1x128xi32, #tpu.memory_space<hbm>> -> memref<128xi32, #tpu.memory_space<hbm>>
      %dma_wait3A_76 = arith.constant 0 : i32
      %dma_wait3A_77 = tpu.memref_slice %arg2[%add3A, %run_scoped3A_5, %dma_wait3A_76] : memref<32x4x128xi32, #tpu.memory_space<hbm>> -> memref<1x1x128xi32, #tpu.memory_space<hbm>>
      %dma_wait3A_78 = tpu.memref_squeeze %dma_wait3A_77 : memref<1x1x128xi32, #tpu.memory_space<hbm>> -> memref<128xi32, #tpu.memory_space<hbm>>
      tpu.wait_dma2 semaphore(%run_scoped3A_66 : memref<!tpu.dma_semaphore, #tpu.memory_space<semaphore_mem>>) src(%dma_wait3A_78 : memref<128xi32, #tpu.memory_space<hbm>>) dst(%arg8 : memref<128xi32, #tpu.memory_space<vmem>>)
      tpu.yield
    }) : () -> ()
    "tpu.region"() ({
      %run_scoped3A_66 = tpu.sem_alloc : memref<!tpu.dma_semaphore, #tpu.memory_space<semaphore_mem>>
      %dma_start3A_67 = arith.constant 128 : i32
      %dma_start3A_68 = arith.constant 0 : i32
      %dma_start3A_69 = tpu.memref_slice %arg9[%dma_start3A_67, %dma_start3A_68] : memref<512x128xf32, #tpu.memory_space<vmem>> -> memref<128x128xf32, #tpu.memory_space<vmem>>
      %dma_start3A_70 = arith.constant 0 : i32
      %dma_start3A_71 = arith.constant 0 : i32
      %dma_start3A_72 = tpu.memref_slice %arg10[%dma_start3A_70, %dma_start3A_71] : memref<1024x128xf32, #tpu.memory_space<vmem_shared>> -> memref<1024x128xf32, #tpu.memory_space<vmem_shared>>
      tpu.enqueue_indirect_dma source(%dma_start3A_69 : memref<128x128xf32, #tpu.memory_space<vmem>>) target(%dma_start3A_72 : memref<1024x128xf32, #tpu.memory_space<vmem_shared>>) offsets(%arg8 : memref<128xi32, #tpu.memory_space<vmem>>) semaphore(%run_scoped3A_66 : memref<!tpu.dma_semaphore, #tpu.memory_space<semaphore_mem>>) {add = true}
      %dma_wait3A_73 = arith.constant 128 : i32
      %dma_wait3A_74 = arith.constant 0 : i32
      %dma_wait3A_75 = tpu.memref_slice %arg9[%dma_wait3A_73, %dma_wait3A_74] : memref<512x128xf32, #tpu.memory_space<vmem>> -> memref<128x128xf32, #tpu.memory_space<vmem>>
      %dma_wait3A_76 = arith.constant 0 : i32
      %dma_wait3A_77 = arith.constant 0 : i32
      %dma_wait3A_78 = tpu.memref_slice %arg10[%dma_wait3A_76, %dma_wait3A_77] : memref<1024x128xf32, #tpu.memory_space<vmem_shared>> -> memref<1024x128xf32, #tpu.memory_space<vmem_shared>>
      tpu.wait_indirect_dma semaphore(%run_scoped3A_66 : memref<!tpu.dma_semaphore, #tpu.memory_space<semaphore_mem>>) src(%dma_wait3A_75 : memref<128x128xf32, #tpu.memory_space<vmem>>) dst(%dma_wait3A_78 : memref<1024x128xf32, #tpu.memory_space<vmem_shared>>)
      tpu.yield
    }) : () -> ()
    %run_scoped3A_6 = arith.constant 2 : i32
    "tpu.region"() ({
      %run_scoped3A_66 = tpu.sem_alloc : memref<!tpu.dma_semaphore, #tpu.memory_space<semaphore_mem>>
      %dma_start3A_67 = arith.constant 0 : i32
      %dma_start3A_68 = tpu.memref_slice %arg2[%add3A, %run_scoped3A_6, %dma_start3A_67] : memref<32x4x128xi32, #tpu.memory_space<hbm>> -> memref<1x1x128xi32, #tpu.memory_space<hbm>>
      %dma_start3A_69 = tpu.memref_squeeze %dma_start3A_68 : memref<1x1x128xi32, #tpu.memory_space<hbm>> -> memref<128xi32, #tpu.memory_space<hbm>>
      %dma_start3A_70 = arith.constant 0 : i32
      %dma_start3A_71 = tpu.memref_slice %arg2[%add3A, %run_scoped3A_6, %dma_start3A_70] : memref<32x4x128xi32, #tpu.memory_space<hbm>> -> memref<1x1x128xi32, #tpu.memory_space<hbm>>
      %dma_start3A_72 = tpu.memref_squeeze %dma_start3A_71 : memref<1x1x128xi32, #tpu.memory_space<hbm>> -> memref<128xi32, #tpu.memory_space<hbm>>
      tpu.enqueue_dma source(%dma_start3A_72 : memref<128xi32, #tpu.memory_space<hbm>>) target(%arg8 : memref<128xi32, #tpu.memory_space<vmem>>) target_semaphore(%run_scoped3A_66 : memref<!tpu.dma_semaphore, #tpu.memory_space<semaphore_mem>>)
      %dma_wait3A_73 = arith.constant 0 : i32
      %dma_wait3A_74 = tpu.memref_slice %arg2[%add3A, %run_scoped3A_6, %dma_wait3A_73] : memref<32x4x128xi32, #tpu.memory_space<hbm>> -> memref<1x1x128xi32, #tpu.memory_space<hbm>>
      %dma_wait3A_75 = tpu.memref_squeeze %dma_wait3A_74 : memref<1x1x128xi32, #tpu.memory_space<hbm>> -> memref<128xi32, #tpu.memory_space<hbm>>
      %dma_wait3A_76 = arith.constant 0 : i32
      %dma_wait3A_77 = tpu.memref_slice %arg2[%add3A, %run_scoped3A_6, %dma_wait3A_76] : memref<32x4x128xi32, #tpu.memory_space<hbm>> -> memref<1x1x128xi32, #tpu.memory_space<hbm>>
      %dma_wait3A_78 = tpu.memref_squeeze %dma_wait3A_77 : memref<1x1x128xi32, #tpu.memory_space<hbm>> -> memref<128xi32, #tpu.memory_space<hbm>>
      tpu.wait_dma2 semaphore(%run_scoped3A_66 : memref<!tpu.dma_semaphore, #tpu.memory_space<semaphore_mem>>) src(%dma_wait3A_78 : memref<128xi32, #tpu.memory_space<hbm>>) dst(%arg8 : memref<128xi32, #tpu.memory_space<vmem>>)
      tpu.yield
    }) : () -> ()
    "tpu.region"() ({
      %run_scoped3A_66 = tpu.sem_alloc : memref<!tpu.dma_semaphore, #tpu.memory_space<semaphore_mem>>
      %dma_start3A_67 = arith.constant 256 : i32
      %dma_start3A_68 = arith.constant 0 : i32
      %dma_start3A_69 = tpu.memref_slice %arg9[%dma_start3A_67, %dma_start3A_68] : memref<512x128xf32, #tpu.memory_space<vmem>> -> memref<128x128xf32, #tpu.memory_space<vmem>>
      %dma_start3A_70 = arith.constant 0 : i32
      %dma_start3A_71 = arith.constant 0 : i32
      %dma_start3A_72 = tpu.memref_slice %arg10[%dma_start3A_70, %dma_start3A_71] : memref<1024x128xf32, #tpu.memory_space<vmem_shared>> -> memref<1024x128xf32, #tpu.memory_space<vmem_shared>>
      tpu.enqueue_indirect_dma source(%dma_start3A_69 : memref<128x128xf32, #tpu.memory_space<vmem>>) target(%dma_start3A_72 : memref<1024x128xf32, #tpu.memory_space<vmem_shared>>) offsets(%arg8 : memref<128xi32, #tpu.memory_space<vmem>>) semaphore(%run_scoped3A_66 : memref<!tpu.dma_semaphore, #tpu.memory_space<semaphore_mem>>) {add = true}
      %dma_wait3A_73 = arith.constant 256 : i32
      %dma_wait3A_74 = arith.constant 0 : i32
      %dma_wait3A_75 = tpu.memref_slice %arg9[%dma_wait3A_73, %dma_wait3A_74] : memref<512x128xf32, #tpu.memory_space<vmem>> -> memref<128x128xf32, #tpu.memory_space<vmem>>
      %dma_wait3A_76 = arith.constant 0 : i32
      %dma_wait3A_77 = arith.constant 0 : i32
      %dma_wait3A_78 = tpu.memref_slice %arg10[%dma_wait3A_76, %dma_wait3A_77] : memref<1024x128xf32, #tpu.memory_space<vmem_shared>> -> memref<1024x128xf32, #tpu.memory_space<vmem_shared>>
      tpu.wait_indirect_dma semaphore(%run_scoped3A_66 : memref<!tpu.dma_semaphore, #tpu.memory_space<semaphore_mem>>) src(%dma_wait3A_75 : memref<128x128xf32, #tpu.memory_space<vmem>>) dst(%dma_wait3A_78 : memref<1024x128xf32, #tpu.memory_space<vmem_shared>>)
      tpu.yield
    }) : () -> ()
    %run_scoped3A_7 = arith.constant 3 : i32
    "tpu.region"() ({
      %run_scoped3A_66 = tpu.sem_alloc : memref<!tpu.dma_semaphore, #tpu.memory_space<semaphore_mem>>
      %dma_start3A_67 = arith.constant 0 : i32
      %dma_start3A_68 = tpu.memref_slice %arg2[%add3A, %run_scoped3A_7, %dma_start3A_67] : memref<32x4x128xi32, #tpu.memory_space<hbm>> -> memref<1x1x128xi32, #tpu.memory_space<hbm>>
      %dma_start3A_69 = tpu.memref_squeeze %dma_start3A_68 : memref<1x1x128xi32, #tpu.memory_space<hbm>> -> memref<128xi32, #tpu.memory_space<hbm>>
      %dma_start3A_70 = arith.constant 0 : i32
      %dma_start3A_71 = tpu.memref_slice %arg2[%add3A, %run_scoped3A_7, %dma_start3A_70] : memref<32x4x128xi32, #tpu.memory_space<hbm>> -> memref<1x1x128xi32, #tpu.memory_space<hbm>>
      %dma_start3A_72 = tpu.memref_squeeze %dma_start3A_71 : memref<1x1x128xi32, #tpu.memory_space<hbm>> -> memref<128xi32, #tpu.memory_space<hbm>>
      tpu.enqueue_dma source(%dma_start3A_72 : memref<128xi32, #tpu.memory_space<hbm>>) target(%arg8 : memref<128xi32, #tpu.memory_space<vmem>>) target_semaphore(%run_scoped3A_66 : memref<!tpu.dma_semaphore, #tpu.memory_space<semaphore_mem>>)
      %dma_wait3A_73 = arith.constant 0 : i32
      %dma_wait3A_74 = tpu.memref_slice %arg2[%add3A, %run_scoped3A_7, %dma_wait3A_73] : memref<32x4x128xi32, #tpu.memory_space<hbm>> -> memref<1x1x128xi32, #tpu.memory_space<hbm>>
      %dma_wait3A_75 = tpu.memref_squeeze %dma_wait3A_74 : memref<1x1x128xi32, #tpu.memory_space<hbm>> -> memref<128xi32, #tpu.memory_space<hbm>>
      %dma_wait3A_76 = arith.constant 0 : i32
      %dma_wait3A_77 = tpu.memref_slice %arg2[%add3A, %run_scoped3A_7, %dma_wait3A_76] : memref<32x4x128xi32, #tpu.memory_space<hbm>> -> memref<1x1x128xi32, #tpu.memory_space<hbm>>
      %dma_wait3A_78 = tpu.memref_squeeze %dma_wait3A_77 : memref<1x1x128xi32, #tpu.memory_space<hbm>> -> memref<128xi32, #tpu.memory_space<hbm>>
      tpu.wait_dma2 semaphore(%run_scoped3A_66 : memref<!tpu.dma_semaphore, #tpu.memory_space<semaphore_mem>>) src(%dma_wait3A_78 : memref<128xi32, #tpu.memory_space<hbm>>) dst(%arg8 : memref<128xi32, #tpu.memory_space<vmem>>)
      tpu.yield
    }) : () -> ()
    "tpu.region"() ({
      %run_scoped3A_66 = tpu.sem_alloc : memref<!tpu.dma_semaphore, #tpu.memory_space<semaphore_mem>>
      %dma_start3A_67 = arith.constant 384 : i32
      %dma_start3A_68 = arith.constant 0 : i32
      %dma_start3A_69 = tpu.memref_slice %arg9[%dma_start3A_67, %dma_start3A_68] : memref<512x128xf32, #tpu.memory_space<vmem>> -> memref<128x128xf32, #tpu.memory_space<vmem>>
      %dma_start3A_70 = arith.constant 0 : i32
      %dma_start3A_71 = arith.constant 0 : i32
      %dma_start3A_72 = tpu.memref_slice %arg10[%dma_start3A_70, %dma_start3A_71] : memref<1024x128xf32, #tpu.memory_space<vmem_shared>> -> memref<1024x128xf32, #tpu.memory_space<vmem_shared>>
      tpu.enqueue_indirect_dma source(%dma_start3A_69 : memref<128x128xf32, #tpu.memory_space<vmem>>) target(%dma_start3A_72 : memref<1024x128xf32, #tpu.memory_space<vmem_shared>>) offsets(%arg8 : memref<128xi32, #tpu.memory_space<vmem>>) semaphore(%run_scoped3A_66 : memref<!tpu.dma_semaphore, #tpu.memory_space<semaphore_mem>>) {add = true}
      %dma_wait3A_73 = arith.constant 384 : i32
      %dma_wait3A_74 = arith.constant 0 : i32
      %dma_wait3A_75 = tpu.memref_slice %arg9[%dma_wait3A_73, %dma_wait3A_74] : memref<512x128xf32, #tpu.memory_space<vmem>> -> memref<128x128xf32, #tpu.memory_space<vmem>>
      %dma_wait3A_76 = arith.constant 0 : i32
      %dma_wait3A_77 = arith.constant 0 : i32
      %dma_wait3A_78 = tpu.memref_slice %arg10[%dma_wait3A_76, %dma_wait3A_77] : memref<1024x128xf32, #tpu.memory_space<vmem_shared>> -> memref<1024x128xf32, #tpu.memory_space<vmem_shared>>
      tpu.wait_indirect_dma semaphore(%run_scoped3A_66 : memref<!tpu.dma_semaphore, #tpu.memory_space<semaphore_mem>>) src(%dma_wait3A_75 : memref<128x128xf32, #tpu.memory_space<vmem>>) dst(%dma_wait3A_78 : memref<1024x128xf32, #tpu.memory_space<vmem_shared>>)
      tpu.yield
    }) : () -> ()
    %run_scoped3A_8 = arith.constant 0 : i32
    "tpu.region"() ({
      %run_scoped3A_66 = tpu.sem_alloc : memref<!tpu.dma_semaphore, #tpu.memory_space<semaphore_mem>>
      %dma_start3A_67 = arith.constant 0 : i32
      %dma_start3A_68 = tpu.memref_slice %arg2[%add3A, %run_scoped3A_8, %dma_start3A_67] : memref<32x4x128xi32, #tpu.memory_space<hbm>> -> memref<1x1x128xi32, #tpu.memory_space<hbm>>
      %dma_start3A_69 = tpu.memref_squeeze %dma_start3A_68 : memref<1x1x128xi32, #tpu.memory_space<hbm>> -> memref<128xi32, #tpu.memory_space<hbm>>
      %dma_start3A_70 = arith.constant 0 : i32
      %dma_start3A_71 = tpu.memref_slice %arg2[%add3A, %run_scoped3A_8, %dma_start3A_70] : memref<32x4x128xi32, #tpu.memory_space<hbm>> -> memref<1x1x128xi32, #tpu.memory_space<hbm>>
      %dma_start3A_72 = tpu.memref_squeeze %dma_start3A_71 : memref<1x1x128xi32, #tpu.memory_space<hbm>> -> memref<128xi32, #tpu.memory_space<hbm>>
      tpu.enqueue_dma source(%dma_start3A_72 : memref<128xi32, #tpu.memory_space<hbm>>) target(%arg8 : memref<128xi32, #tpu.memory_space<vmem>>) target_semaphore(%run_scoped3A_66 : memref<!tpu.dma_semaphore, #tpu.memory_space<semaphore_mem>>)
      %dma_wait3A_73 = arith.constant 0 : i32
      %dma_wait3A_74 = tpu.memref_slice %arg2[%add3A, %run_scoped3A_8, %dma_wait3A_73] : memref<32x4x128xi32, #tpu.memory_space<hbm>> -> memref<1x1x128xi32, #tpu.memory_space<hbm>>
      %dma_wait3A_75 = tpu.memref_squeeze %dma_wait3A_74 : memref<1x1x128xi32, #tpu.memory_space<hbm>> -> memref<128xi32, #tpu.memory_space<hbm>>
      %dma_wait3A_76 = arith.constant 0 : i32
      %dma_wait3A_77 = tpu.memref_slice %arg2[%add3A, %run_scoped3A_8, %dma_wait3A_76] : memref<32x4x128xi32, #tpu.memory_space<hbm>> -> memref<1x1x128xi32, #tpu.memory_space<hbm>>
      %dma_wait3A_78 = tpu.memref_squeeze %dma_wait3A_77 : memref<1x1x128xi32, #tpu.memory_space<hbm>> -> memref<128xi32, #tpu.memory_space<hbm>>
      tpu.wait_dma2 semaphore(%run_scoped3A_66 : memref<!tpu.dma_semaphore, #tpu.memory_space<semaphore_mem>>) src(%dma_wait3A_78 : memref<128xi32, #tpu.memory_space<hbm>>) dst(%arg8 : memref<128xi32, #tpu.memory_space<vmem>>)
      tpu.yield
    }) : () -> ()
    %dma_start3A = arith.constant 0 : i32
    %dma_start3A_9 = arith.constant 0 : i32
    %dma_start3A_10 = tpu.memref_slice %arg9[%dma_start3A, %dma_start3A_9] : memref<512x128xf32, #tpu.memory_space<vmem>> -> memref<128x128xf32, #tpu.memory_space<vmem>>
    %dma_start3A_11 = arith.constant 0 : i32
    %dma_start3A_12 = arith.constant 0 : i32
    %dma_start3A_13 = tpu.memref_slice %arg5[%dma_start3A_11, %dma_start3A_12] : memref<1024x128xf32, #tpu.memory_space<hbm>> -> memref<1024x128xf32, #tpu.memory_space<hbm>>
    tpu.enqueue_indirect_dma source(%dma_start3A_13 : memref<1024x128xf32, #tpu.memory_space<hbm>>) target(%dma_start3A_10 : memref<128x128xf32, #tpu.memory_space<vmem>>) offsets(%arg8 : memref<128xi32, #tpu.memory_space<vmem>>) semaphore(%arg11 : memref<!tpu.dma_semaphore, #tpu.memory_space<semaphore_mem>>)
    %dma_wait3A = arith.constant 0 : i32
    %dma_wait3A_14 = arith.constant 0 : i32
    %dma_wait3A_15 = tpu.memref_slice %arg9[%dma_wait3A, %dma_wait3A_14] : memref<512x128xf32, #tpu.memory_space<vmem>> -> memref<128x128xf32, #tpu.memory_space<vmem>>
    %dma_wait3A_16 = arith.constant 0 : i32
    %dma_wait3A_17 = arith.constant 0 : i32
    %dma_wait3A_18 = tpu.memref_slice %arg5[%dma_wait3A_16, %dma_wait3A_17] : memref<1024x128xf32, #tpu.memory_space<hbm>> -> memref<1024x128xf32, #tpu.memory_space<hbm>>
    tpu.wait_indirect_dma semaphore(%arg11 : memref<!tpu.dma_semaphore, #tpu.memory_space<semaphore_mem>>) src(%dma_wait3A_18 : memref<1024x128xf32, #tpu.memory_space<hbm>>) dst(%dma_wait3A_15 : memref<128x128xf32, #tpu.memory_space<vmem>>)
    %run_scoped3A_19 = arith.constant 1 : i32
    "tpu.region"() ({
      %run_scoped3A_66 = tpu.sem_alloc : memref<!tpu.dma_semaphore, #tpu.memory_space<semaphore_mem>>
      %dma_start3A_67 = arith.constant 0 : i32
      %dma_start3A_68 = tpu.memref_slice %arg2[%add3A, %run_scoped3A_19, %dma_start3A_67] : memref<32x4x128xi32, #tpu.memory_space<hbm>> -> memref<1x1x128xi32, #tpu.memory_space<hbm>>
      %dma_start3A_69 = tpu.memref_squeeze %dma_start3A_68 : memref<1x1x128xi32, #tpu.memory_space<hbm>> -> memref<128xi32, #tpu.memory_space<hbm>>
      %dma_start3A_70 = arith.constant 0 : i32
      %dma_start3A_71 = tpu.memref_slice %arg2[%add3A, %run_scoped3A_19, %dma_start3A_70] : memref<32x4x128xi32, #tpu.memory_space<hbm>> -> memref<1x1x128xi32, #tpu.memory_space<hbm>>
      %dma_start3A_72 = tpu.memref_squeeze %dma_start3A_71 : memref<1x1x128xi32, #tpu.memory_space<hbm>> -> memref<128xi32, #tpu.memory_space<hbm>>
      tpu.enqueue_dma source(%dma_start3A_72 : memref<128xi32, #tpu.memory_space<hbm>>) target(%arg8 : memref<128xi32, #tpu.memory_space<vmem>>) target_semaphore(%run_scoped3A_66 : memref<!tpu.dma_semaphore, #tpu.memory_space<semaphore_mem>>)
      %dma_wait3A_73 = arith.constant 0 : i32
      %dma_wait3A_74 = tpu.memref_slice %arg2[%add3A, %run_scoped3A_19, %dma_wait3A_73] : memref<32x4x128xi32, #tpu.memory_space<hbm>> -> memref<1x1x128xi32, #tpu.memory_space<hbm>>
      %dma_wait3A_75 = tpu.memref_squeeze %dma_wait3A_74 : memref<1x1x128xi32, #tpu.memory_space<hbm>> -> memref<128xi32, #tpu.memory_space<hbm>>
      %dma_wait3A_76 = arith.constant 0 : i32
      %dma_wait3A_77 = tpu.memref_slice %arg2[%add3A, %run_scoped3A_19, %dma_wait3A_76] : memref<32x4x128xi32, #tpu.memory_space<hbm>> -> memref<1x1x128xi32, #tpu.memory_space<hbm>>
      %dma_wait3A_78 = tpu.memref_squeeze %dma_wait3A_77 : memref<1x1x128xi32, #tpu.memory_space<hbm>> -> memref<128xi32, #tpu.memory_space<hbm>>
      tpu.wait_dma2 semaphore(%run_scoped3A_66 : memref<!tpu.dma_semaphore, #tpu.memory_space<semaphore_mem>>) src(%dma_wait3A_78 : memref<128xi32, #tpu.memory_space<hbm>>) dst(%arg8 : memref<128xi32, #tpu.memory_space<vmem>>)
      tpu.yield
    }) : () -> ()
    %dma_start3A_20 = arith.constant 128 : i32
    %dma_start3A_21 = arith.constant 0 : i32
    %dma_start3A_22 = tpu.memref_slice %arg9[%dma_start3A_20, %dma_start3A_21] : memref<512x128xf32, #tpu.memory_space<vmem>> -> memref<128x128xf32, #tpu.memory_space<vmem>>
    %dma_start3A_23 = arith.constant 0 : i32
    %dma_start3A_24 = arith.constant 0 : i32
    %dma_start3A_25 = tpu.memref_slice %arg5[%dma_start3A_23, %dma_start3A_24] : memref<1024x128xf32, #tpu.memory_space<hbm>> -> memref<1024x128xf32, #tpu.memory_space<hbm>>
    tpu.enqueue_indirect_dma source(%dma_start3A_25 : memref<1024x128xf32, #tpu.memory_space<hbm>>) target(%dma_start3A_22 : memref<128x128xf32, #tpu.memory_space<vmem>>) offsets(%arg8 : memref<128xi32, #tpu.memory_space<vmem>>) semaphore(%arg11 : memref<!tpu.dma_semaphore, #tpu.memory_space<semaphore_mem>>)
    %dma_wait3A_26 = arith.constant 128 : i32
    %dma_wait3A_27 = arith.constant 0 : i32
    %dma_wait3A_28 = tpu.memref_slice %arg9[%dma_wait3A_26, %dma_wait3A_27] : memref<512x128xf32, #tpu.memory_space<vmem>> -> memref<128x128xf32, #tpu.memory_space<vmem>>
    %dma_wait3A_29 = arith.constant 0 : i32
    %dma_wait3A_30 = arith.constant 0 : i32
    %dma_wait3A_31 = tpu.memref_slice %arg5[%dma_wait3A_29, %dma_wait3A_30] : memref<1024x128xf32, #tpu.memory_space<hbm>> -> memref<1024x128xf32, #tpu.memory_space<hbm>>
    tpu.wait_indirect_dma semaphore(%arg11 : memref<!tpu.dma_semaphore, #tpu.memory_space<semaphore_mem>>) src(%dma_wait3A_31 : memref<1024x128xf32, #tpu.memory_space<hbm>>) dst(%dma_wait3A_28 : memref<128x128xf32, #tpu.memory_space<vmem>>)
    %run_scoped3A_32 = arith.constant 2 : i32
    "tpu.region"() ({
      %run_scoped3A_66 = tpu.sem_alloc : memref<!tpu.dma_semaphore, #tpu.memory_space<semaphore_mem>>
      %dma_start3A_67 = arith.constant 0 : i32
      %dma_start3A_68 = tpu.memref_slice %arg2[%add3A, %run_scoped3A_32, %dma_start3A_67] : memref<32x4x128xi32, #tpu.memory_space<hbm>> -> memref<1x1x128xi32, #tpu.memory_space<hbm>>
      %dma_start3A_69 = tpu.memref_squeeze %dma_start3A_68 : memref<1x1x128xi32, #tpu.memory_space<hbm>> -> memref<128xi32, #tpu.memory_space<hbm>>
      %dma_start3A_70 = arith.constant 0 : i32
      %dma_start3A_71 = tpu.memref_slice %arg2[%add3A, %run_scoped3A_32, %dma_start3A_70] : memref<32x4x128xi32, #tpu.memory_space<hbm>> -> memref<1x1x128xi32, #tpu.memory_space<hbm>>
      %dma_start3A_72 = tpu.memref_squeeze %dma_start3A_71 : memref<1x1x128xi32, #tpu.memory_space<hbm>> -> memref<128xi32, #tpu.memory_space<hbm>>
      tpu.enqueue_dma source(%dma_start3A_72 : memref<128xi32, #tpu.memory_space<hbm>>) target(%arg8 : memref<128xi32, #tpu.memory_space<vmem>>) target_semaphore(%run_scoped3A_66 : memref<!tpu.dma_semaphore, #tpu.memory_space<semaphore_mem>>)
      %dma_wait3A_73 = arith.constant 0 : i32
      %dma_wait3A_74 = tpu.memref_slice %arg2[%add3A, %run_scoped3A_32, %dma_wait3A_73] : memref<32x4x128xi32, #tpu.memory_space<hbm>> -> memref<1x1x128xi32, #tpu.memory_space<hbm>>
      %dma_wait3A_75 = tpu.memref_squeeze %dma_wait3A_74 : memref<1x1x128xi32, #tpu.memory_space<hbm>> -> memref<128xi32, #tpu.memory_space<hbm>>
      %dma_wait3A_76 = arith.constant 0 : i32
      %dma_wait3A_77 = tpu.memref_slice %arg2[%add3A, %run_scoped3A_32, %dma_wait3A_76] : memref<32x4x128xi32, #tpu.memory_space<hbm>> -> memref<1x1x128xi32, #tpu.memory_space<hbm>>
      %dma_wait3A_78 = tpu.memref_squeeze %dma_wait3A_77 : memref<1x1x128xi32, #tpu.memory_space<hbm>> -> memref<128xi32, #tpu.memory_space<hbm>>
      tpu.wait_dma2 semaphore(%run_scoped3A_66 : memref<!tpu.dma_semaphore, #tpu.memory_space<semaphore_mem>>) src(%dma_wait3A_78 : memref<128xi32, #tpu.memory_space<hbm>>) dst(%arg8 : memref<128xi32, #tpu.memory_space<vmem>>)
      tpu.yield
    }) : () -> ()
    %dma_start3A_33 = arith.constant 256 : i32
    %dma_start3A_34 = arith.constant 0 : i32
    %dma_start3A_35 = tpu.memref_slice %arg9[%dma_start3A_33, %dma_start3A_34] : memref<512x128xf32, #tpu.memory_space<vmem>> -> memref<128x128xf32, #tpu.memory_space<vmem>>
    %dma_start3A_36 = arith.constant 0 : i32
    %dma_start3A_37 = arith.constant 0 : i32
    %dma_start3A_38 = tpu.memref_slice %arg5[%dma_start3A_36, %dma_start3A_37] : memref<1024x128xf32, #tpu.memory_space<hbm>> -> memref<1024x128xf32, #tpu.memory_space<hbm>>
    tpu.enqueue_indirect_dma source(%dma_start3A_38 : memref<1024x128xf32, #tpu.memory_space<hbm>>) target(%dma_start3A_35 : memref<128x128xf32, #tpu.memory_space<vmem>>) offsets(%arg8 : memref<128xi32, #tpu.memory_space<vmem>>) semaphore(%arg11 : memref<!tpu.dma_semaphore, #tpu.memory_space<semaphore_mem>>)
    %dma_wait3A_39 = arith.constant 256 : i32
    %dma_wait3A_40 = arith.constant 0 : i32
    %dma_wait3A_41 = tpu.memref_slice %arg9[%dma_wait3A_39, %dma_wait3A_40] : memref<512x128xf32, #tpu.memory_space<vmem>> -> memref<128x128xf32, #tpu.memory_space<vmem>>
    %dma_wait3A_42 = arith.constant 0 : i32
    %dma_wait3A_43 = arith.constant 0 : i32
    %dma_wait3A_44 = tpu.memref_slice %arg5[%dma_wait3A_42, %dma_wait3A_43] : memref<1024x128xf32, #tpu.memory_space<hbm>> -> memref<1024x128xf32, #tpu.memory_space<hbm>>
    tpu.wait_indirect_dma semaphore(%arg11 : memref<!tpu.dma_semaphore, #tpu.memory_space<semaphore_mem>>) src(%dma_wait3A_44 : memref<1024x128xf32, #tpu.memory_space<hbm>>) dst(%dma_wait3A_41 : memref<128x128xf32, #tpu.memory_space<vmem>>)
    %run_scoped3A_45 = arith.constant 3 : i32
    "tpu.region"() ({
      %run_scoped3A_66 = tpu.sem_alloc : memref<!tpu.dma_semaphore, #tpu.memory_space<semaphore_mem>>
      %dma_start3A_67 = arith.constant 0 : i32
      %dma_start3A_68 = tpu.memref_slice %arg2[%add3A, %run_scoped3A_45, %dma_start3A_67] : memref<32x4x128xi32, #tpu.memory_space<hbm>> -> memref<1x1x128xi32, #tpu.memory_space<hbm>>
      %dma_start3A_69 = tpu.memref_squeeze %dma_start3A_68 : memref<1x1x128xi32, #tpu.memory_space<hbm>> -> memref<128xi32, #tpu.memory_space<hbm>>
      %dma_start3A_70 = arith.constant 0 : i32
      %dma_start3A_71 = tpu.memref_slice %arg2[%add3A, %run_scoped3A_45, %dma_start3A_70] : memref<32x4x128xi32, #tpu.memory_space<hbm>> -> memref<1x1x128xi32, #tpu.memory_space<hbm>>
      %dma_start3A_72 = tpu.memref_squeeze %dma_start3A_71 : memref<1x1x128xi32, #tpu.memory_space<hbm>> -> memref<128xi32, #tpu.memory_space<hbm>>
      tpu.enqueue_dma source(%dma_start3A_72 : memref<128xi32, #tpu.memory_space<hbm>>) target(%arg8 : memref<128xi32, #tpu.memory_space<vmem>>) target_semaphore(%run_scoped3A_66 : memref<!tpu.dma_semaphore, #tpu.memory_space<semaphore_mem>>)
      %dma_wait3A_73 = arith.constant 0 : i32
      %dma_wait3A_74 = tpu.memref_slice %arg2[%add3A, %run_scoped3A_45, %dma_wait3A_73] : memref<32x4x128xi32, #tpu.memory_space<hbm>> -> memref<1x1x128xi32, #tpu.memory_space<hbm>>
      %dma_wait3A_75 = tpu.memref_squeeze %dma_wait3A_74 : memref<1x1x128xi32, #tpu.memory_space<hbm>> -> memref<128xi32, #tpu.memory_space<hbm>>
      %dma_wait3A_76 = arith.constant 0 : i32
      %dma_wait3A_77 = tpu.memref_slice %arg2[%add3A, %run_scoped3A_45, %dma_wait3A_76] : memref<32x4x128xi32, #tpu.memory_space<hbm>> -> memref<1x1x128xi32, #tpu.memory_space<hbm>>
      %dma_wait3A_78 = tpu.memref_squeeze %dma_wait3A_77 : memref<1x1x128xi32, #tpu.memory_space<hbm>> -> memref<128xi32, #tpu.memory_space<hbm>>
      tpu.wait_dma2 semaphore(%run_scoped3A_66 : memref<!tpu.dma_semaphore, #tpu.memory_space<semaphore_mem>>) src(%dma_wait3A_78 : memref<128xi32, #tpu.memory_space<hbm>>) dst(%arg8 : memref<128xi32, #tpu.memory_space<vmem>>)
      tpu.yield
    }) : () -> ()
    %dma_start3A_46 = arith.constant 384 : i32
    %dma_start3A_47 = arith.constant 0 : i32
    %dma_start3A_48 = tpu.memref_slice %arg9[%dma_start3A_46, %dma_start3A_47] : memref<512x128xf32, #tpu.memory_space<vmem>> -> memref<128x128xf32, #tpu.memory_space<vmem>>
    %dma_start3A_49 = arith.constant 0 : i32
    %dma_start3A_50 = arith.constant 0 : i32
    %dma_start3A_51 = tpu.memref_slice %arg5[%dma_start3A_49, %dma_start3A_50] : memref<1024x128xf32, #tpu.memory_space<hbm>> -> memref<1024x128xf32, #tpu.memory_space<hbm>>
    tpu.enqueue_indirect_dma source(%dma_start3A_51 : memref<1024x128xf32, #tpu.memory_space<hbm>>) target(%dma_start3A_48 : memref<128x128xf32, #tpu.memory_space<vmem>>) offsets(%arg8 : memref<128xi32, #tpu.memory_space<vmem>>) semaphore(%arg11 : memref<!tpu.dma_semaphore, #tpu.memory_space<semaphore_mem>>)
    %dma_wait3A_52 = arith.constant 384 : i32
    %dma_wait3A_53 = arith.constant 0 : i32
    %dma_wait3A_54 = tpu.memref_slice %arg9[%dma_wait3A_52, %dma_wait3A_53] : memref<512x128xf32, #tpu.memory_space<vmem>> -> memref<128x128xf32, #tpu.memory_space<vmem>>
    %dma_wait3A_55 = arith.constant 0 : i32
    %dma_wait3A_56 = arith.constant 0 : i32
    %dma_wait3A_57 = tpu.memref_slice %arg5[%dma_wait3A_55, %dma_wait3A_56] : memref<1024x128xf32, #tpu.memory_space<hbm>> -> memref<1024x128xf32, #tpu.memory_space<hbm>>
    tpu.wait_indirect_dma semaphore(%arg11 : memref<!tpu.dma_semaphore, #tpu.memory_space<semaphore_mem>>) src(%dma_wait3A_57 : memref<1024x128xf32, #tpu.memory_space<hbm>>) dst(%dma_wait3A_54 : memref<128x128xf32, #tpu.memory_space<vmem>>)
    %mul3A_58 = arith.constant 512 : i32
    %mul3A_59 = arith.muli %add3A, %mul3A_58 : i32
    "tpu.region"() ({
      %run_scoped3A_66 = tpu.sem_alloc : memref<!tpu.dma_semaphore, #tpu.memory_space<semaphore_mem>>
      %dma_start3A_67 = arith.constant 0 : i32
      %dma_start3A_68 = tpu.memref_slice %arg7[%mul3A_59, %dma_start3A_67] : memref<16384x128xf32, #tpu.memory_space<hbm>> -> memref<512x128xf32, #tpu.memory_space<hbm>>
      %dma_start3A_69 = arith.constant 0 : i32
      %dma_start3A_70 = tpu.memref_slice %arg7[%mul3A_59, %dma_start3A_69] : memref<16384x128xf32, #tpu.memory_space<hbm>> -> memref<512x128xf32, #tpu.memory_space<hbm>>
      tpu.enqueue_dma source(%arg9 : memref<512x128xf32, #tpu.memory_space<vmem>>) target(%dma_start3A_70 : memref<512x128xf32, #tpu.memory_space<hbm>>) target_semaphore(%run_scoped3A_66 : memref<!tpu.dma_semaphore, #tpu.memory_space<semaphore_mem>>)
      %dma_wait3A_71 = arith.constant 0 : i32
      %dma_wait3A_72 = tpu.memref_slice %arg7[%mul3A_59, %dma_wait3A_71] : memref<16384x128xf32, #tpu.memory_space<hbm>> -> memref<512x128xf32, #tpu.memory_space<hbm>>
      %dma_wait3A_73 = arith.constant 0 : i32
      %dma_wait3A_74 = tpu.memref_slice %arg7[%mul3A_59, %dma_wait3A_73] : memref<16384x128xf32, #tpu.memory_space<hbm>> -> memref<512x128xf32, #tpu.memory_space<hbm>>
      tpu.wait_dma2 semaphore(%run_scoped3A_66 : memref<!tpu.dma_semaphore, #tpu.memory_space<semaphore_mem>>) src(%arg9 : memref<512x128xf32, #tpu.memory_space<vmem>>) dst(%dma_wait3A_74 : memref<512x128xf32, #tpu.memory_space<hbm>>)
      tpu.yield
    }) : () -> ()
    %barrier3A_60 = arith.constant 0 : index
    tpu.barrier barrier_id(%barrier3A_60)
    %eq3A_61 = arith.constant 0 : i32
    %eq3A_62 = arith.cmpi eq, %arg1, %eq3A_61 : i32
    %convert_element_type3A_63 = arith.extui %eq3A_62 : i1 to i32
    %cond3A_64 = arith.constant 0 : i32
    %cond3A_65 = arith.cmpi ne, %convert_element_type3A_63, %cond3A_64 : i32
    scf.if %cond3A_65 {
      "tpu.region"() ({
        %run_scoped3A_66 = tpu.sem_alloc : memref<!tpu.dma_semaphore, #tpu.memory_space<semaphore_mem>>
        %dma_start3A_67 = arith.constant 0 : i32
        %dma_start3A_68 = arith.constant 0 : i32
        %dma_start3A_69 = tpu.memref_slice %arg6[%arg0, %dma_start3A_67, %dma_start3A_68] : memref<2x1024x128xf32, #tpu.memory_space<hbm>> -> memref<1x1024x128xf32, #tpu.memory_space<hbm>>
        %dma_start3A_70 = tpu.memref_squeeze %dma_start3A_69 : memref<1x1024x128xf32, #tpu.memory_space<hbm>> -> memref<1024x128xf32, #tpu.memory_space<hbm>>
        tpu.enqueue_dma source(%arg10 : memref<1024x128xf32, #tpu.memory_space<vmem_shared>>) target(%dma_start3A_70 : memref<1024x128xf32, #tpu.memory_space<hbm>>) target_semaphore(%run_scoped3A_66 : memref<!tpu.dma_semaphore, #tpu.memory_space<semaphore_mem>>)
        %dma_wait3A_71 = arith.constant 0 : i32
        %dma_wait3A_72 = arith.constant 0 : i32
        %dma_wait3A_73 = tpu.memref_slice %arg6[%arg0, %dma_wait3A_71, %dma_wait3A_72] : memref<2x1024x128xf32, #tpu.memory_space<hbm>> -> memref<1x1024x128xf32, #tpu.memory_space<hbm>>
        %dma_wait3A_74 = tpu.memref_squeeze %dma_wait3A_73 : memref<1x1024x128xf32, #tpu.memory_space<hbm>> -> memref<1024x128xf32, #tpu.memory_space<hbm>>
        tpu.wait_dma2 semaphore(%run_scoped3A_66 : memref<!tpu.dma_semaphore, #tpu.memory_space<semaphore_mem>>) src(%arg10 : memref<1024x128xf32, #tpu.memory_space<vmem_shared>>) dst(%dma_wait3A_74 : memref<1024x128xf32, #tpu.memory_space<hbm>>)
        tpu.yield
      }) : () -> ()
    } else {
    }
    return
  }
}

module attributes {stable_mosaic.version = 14 : i64} {
  func.func @_k1_body(%arg0: i32, %arg1: memref<1x256x1024xf32, #tpu.memory_space<vmem>>, %arg2: memref<64x256xf32, #tpu.memory_space<vmem>>, %arg3: memref<64x1xf32, #tpu.memory_space<vmem>>, %arg4: memref<1x64x1024xf32, #tpu.memory_space<vmem>>, %arg5: memref<64x2xf32, #tpu.memory_space<vmem>>, %arg6: memref<64x2xf32, #tpu.memory_space<vmem>>) attributes {dimension_semantics = [#tpu.dimension_semantics<arbitrary>], iteration_bounds = array<i64: 16>, scalar_prefetch = 0 : i64, scratch_operands = 1 : i64, tpu.core_type = #tpu.core_type<tc>, window_params = [{transform_indices = @transform_0, window_bounds = array<i64: 1, 256, 1024>}, {pipeline_mode = #tpu.pipeline_mode<synchronous>, transform_indices = @transform_1, window_bounds = array<i64: 64, 256>}, {pipeline_mode = #tpu.pipeline_mode<synchronous>, transform_indices = @transform_2, window_bounds = array<i64: 64, 1>}, {transform_indices = @transform_3, window_bounds = array<i64: 1, 64, 1024>}, {pipeline_mode = #tpu.pipeline_mode<synchronous>, transform_indices = @transform_4, window_bounds = array<i64: 64, 2>}]} {
    %get3A = arith.constant 0 : index
    %get3A_0 = arith.constant 0 : index
    %get3A_1 = arith.constant 0 : index
    %get3A_2 = vector.load %arg1[%get3A, %get3A_0, %get3A_1] : memref<1x256x1024xf32, #tpu.memory_space<vmem>>, vector<1x256x1024xf32>
    %get3A_3 = vector.shape_cast %get3A_2 : vector<1x256x1024xf32> to vector<256x1024xf32>
    %get3A_4 = arith.constant 0 : index
    %get3A_5 = arith.constant 0 : index
    %get3A_6 = vector.load %arg2[%get3A_4, %get3A_5] : memref<64x256xf32, #tpu.memory_space<vmem>>, vector<64x256xf32>
    %dot_general3A = arith.constant dense<0.000000e+00> : vector<64x1024xf32>
    %dot_general3A_7 = tpu.matmul %get3A_6, %get3A_3, %dot_general3A {dimension_numbers = #tpu.dot_dimension_numbers<[1], [0], [0], [1], [0, 0, 1, 1], [], []>, transpose_lhs_hint = false} : vector<64x256xf32>, vector<256x1024xf32>, vector<64x1024xf32> -> vector<64x1024xf32>
    %get3A_8 = arith.constant 0 : index
    %get3A_9 = arith.constant 0 : index
    %get3A_10 = vector.load %arg3[%get3A_8, %get3A_9] : memref<64x1xf32, #tpu.memory_space<vmem>>, vector<64x1xf32>
    %add3A = vector.broadcast %get3A_10 : vector<64x1xf32> to vector<64x1024xf32>
    %add3A_11 = arith.addf %dot_general3A_7, %add3A : vector<64x1024xf32>
    %swap3A = arith.constant 0 : index
    %swap3A_12 = arith.constant 0 : index
    %swap3A_13 = arith.constant 0 : index
    %swap3A_14 = vector.load %arg4[%swap3A, %swap3A_12, %swap3A_13] : memref<1x64x1024xf32, #tpu.memory_space<vmem>>, vector<1x64x1024xf32>
    %swap3A_15 = vector.shape_cast %swap3A_14 : vector<1x64x1024xf32> to vector<64x1024xf32>
    %swap3A_16 = vector.shape_cast %add3A_11 : vector<64x1024xf32> to vector<1x64x1024xf32>
    tpu.vector_store %arg4[%swap3A, %swap3A_12, %swap3A_13], %swap3A_16 {strides = array<i32>} : memref<1x64x1024xf32, #tpu.memory_space<vmem>>, vector<1x64x1024xf32>,
    %reduce_sum3A = arith.constant dense<0.000000e+00> : vector<64xf32>
    %reduce_sum3A_17 = vector.multi_reduction <add>, %add3A_11, %reduce_sum3A [1] : vector<64x1024xf32> to vector<64xf32>
    %broadcast_in_dim3A = vector.shape_cast %reduce_sum3A_17 : vector<64xf32> to vector<64x1xf32>
    %mul3A = arith.mulf %add3A_11, %add3A_11 : vector<64x1024xf32>
    %reduce_sum3A_18 = arith.constant dense<0.000000e+00> : vector<64xf32>
    %reduce_sum3A_19 = vector.multi_reduction <add>, %mul3A, %reduce_sum3A_18 [1] : vector<64x1024xf32> to vector<64xf32>
    %broadcast_in_dim3A_20 = vector.shape_cast %reduce_sum3A_19 : vector<64xf32> to vector<64x1xf32>
    %concatenate3A = tpu.concatenate %broadcast_in_dim3A, %broadcast_in_dim3A_20 in 1 : vector<64x1xf32>, vector<64x1xf32> -> vector<64x2xf32>
    %eq3A = arith.constant 0 : i32
    %eq3A_21 = arith.cmpi eq, %arg0, %eq3A : i32
    %convert_element_type3A = arith.extui %eq3A_21 : i1 to i32
    %cond3A = arith.constant 0 : i32
    %cond3A_22 = arith.cmpi ne, %convert_element_type3A, %cond3A : i32
    scf.if %cond3A_22 {
      %swap3A_32 = arith.constant 0 : index
      %swap3A_33 = arith.constant 0 : index
      %swap3A_34 = vector.load %arg6[%swap3A_32, %swap3A_33] : memref<64x2xf32, #tpu.memory_space<vmem>>, vector<64x2xf32>
      tpu.vector_store %arg6[%swap3A_32, %swap3A_33], %concatenate3A {strides = array<i32>} : memref<64x2xf32, #tpu.memory_space<vmem>>, vector<64x2xf32>,
    } else {
    }
    %ne3A = arith.constant 0 : i32
    %ne3A_23 = arith.cmpi ne, %arg0, %ne3A : i32
    %convert_element_type3A_24 = arith.extui %ne3A_23 : i1 to i32
    %cond3A_25 = arith.constant 0 : i32
    %cond3A_26 = arith.cmpi ne, %convert_element_type3A_24, %cond3A_25 : i32
    scf.if %cond3A_26 {
      %get3A_32 = arith.constant 0 : index
      %get3A_33 = arith.constant 0 : index
      %get3A_34 = vector.load %arg6[%get3A_32, %get3A_33] : memref<64x2xf32, #tpu.memory_space<vmem>>, vector<64x2xf32>
      %add3A_35 = arith.addf %get3A_34, %concatenate3A : vector<64x2xf32>
      %swap3A_36 = arith.constant 0 : index
      %swap3A_37 = arith.constant 0 : index
      %swap3A_38 = vector.load %arg6[%swap3A_36, %swap3A_37] : memref<64x2xf32, #tpu.memory_space<vmem>>, vector<64x2xf32>
      tpu.vector_store %arg6[%swap3A_36, %swap3A_37], %add3A_35 {strides = array<i32>} : memref<64x2xf32, #tpu.memory_space<vmem>>, vector<64x2xf32>,
    } else {
    }
    %eq3A_27 = arith.constant 15 : i32
    %eq3A_28 = arith.cmpi eq, %arg0, %eq3A_27 : i32
    %convert_element_type3A_29 = arith.extui %eq3A_28 : i1 to i32
    %cond3A_30 = arith.constant 0 : i32
    %cond3A_31 = arith.cmpi ne, %convert_element_type3A_29, %cond3A_30 : i32
    scf.if %cond3A_31 {
      %get3A_32 = arith.constant 0 : index
      %get3A_33 = arith.constant 0 : index
      %get3A_34 = vector.load %arg6[%get3A_32, %get3A_33] : memref<64x2xf32, #tpu.memory_space<vmem>>, vector<64x2xf32>
      %swap3A_35 = arith.constant 0 : index
      %swap3A_36 = arith.constant 0 : index
      %swap3A_37 = vector.load %arg5[%swap3A_35, %swap3A_36] : memref<64x2xf32, #tpu.memory_space<vmem>>, vector<64x2xf32>
      tpu.vector_store %arg5[%swap3A_35, %swap3A_36], %get3A_34 {strides = array<i32>} : memref<64x2xf32, #tpu.memory_space<vmem>>, vector<64x2xf32>,
    } else {
    }
    return
  }
  func.func @transform_0(%arg0: i32) -> (i32, i32, i32) {
    %c0_i32 = arith.constant 0 : i32
    %c0_i32_0 = arith.constant 0 : i32
    %c0_i32_1 = arith.constant 0 : i32
    return %arg0, %c0_i32, %c0_i32_0 : i32, i32, i32
  }
  func.func @transform_1(%arg0: i32) -> (i32, i32) {
    %c0_i32 = arith.constant 0 : i32
    %c0_i32_0 = arith.constant 0 : i32
    %c0_i32_1 = arith.constant 0 : i32
    return %c0_i32, %c0_i32_0 : i32, i32
  }
  func.func @transform_2(%arg0: i32) -> (i32, i32) {
    %c0_i32 = arith.constant 0 : i32
    %c0_i32_0 = arith.constant 0 : i32
    %c0_i32_1 = arith.constant 0 : i32
    return %c0_i32, %c0_i32_0 : i32, i32
  }
  func.func @transform_3(%arg0: i32) -> (i32, i32, i32) {
    %c0_i32 = arith.constant 0 : i32
    %c0_i32_0 = arith.constant 0 : i32
    %c0_i32_1 = arith.constant 0 : i32
    return %arg0, %c0_i32, %c0_i32_0 : i32, i32, i32
  }
  func.func @transform_4(%arg0: i32) -> (i32, i32) {
    %c0_i32 = arith.constant 0 : i32
    %c0_i32_0 = arith.constant 0 : i32
    %c0_i32_1 = arith.constant 0 : i32
    return %c0_i32, %c0_i32_0 : i32, i32
  }
}

module attributes {stable_mosaic.version = 14 : i64} {
  func.func @_k2_body(%arg0: i32, %arg1: memref<1x64x1024xf32, #tpu.memory_space<vmem>>, %arg2: memref<64x2xf32, #tpu.memory_space<vmem>>, %arg3: memref<64x1xf32, #tpu.memory_space<vmem>>, %arg4: memref<64x1xf32, #tpu.memory_space<vmem>>, %arg5: memref<1024x64xf32, #tpu.memory_space<vmem>>, %arg6: memref<1x64x1024xf32, #tpu.memory_space<vmem>>, %arg7: memref<1024x128xf32, #tpu.memory_space<vmem>>, %arg8: memref<1x1x1024xi32, #tpu.memory_space<vmem>>, %arg9: memref<64x1xf32, #tpu.memory_space<vmem>>, %arg10: memref<64x1xf32, #tpu.memory_space<vmem>>, %arg11: memref<1024x1xf32, #tpu.memory_space<vmem>>) attributes {dimension_semantics = [#tpu.dimension_semantics<arbitrary>], iteration_bounds = array<i64: 16>, scalar_prefetch = 0 : i64, scratch_operands = 3 : i64, tpu.core_type = #tpu.core_type<tc>, window_params = [{transform_indices = @transform_0, window_bounds = array<i64: 1, 64, 1024>}, {pipeline_mode = #tpu.pipeline_mode<synchronous>, transform_indices = @transform_1, window_bounds = array<i64: 64, 2>}, {pipeline_mode = #tpu.pipeline_mode<synchronous>, transform_indices = @transform_2, window_bounds = array<i64: 64, 1>}, {pipeline_mode = #tpu.pipeline_mode<synchronous>, transform_indices = @transform_3, window_bounds = array<i64: 64, 1>}, {pipeline_mode = #tpu.pipeline_mode<synchronous>, transform_indices = @transform_4, window_bounds = array<i64: 1024, 64>}, {transform_indices = @transform_5, window_bounds = array<i64: 1, 64, 1024>}, {transform_indices = @transform_6, window_bounds = array<i64: 1024, 128>}, {transform_indices = @transform_7, window_bounds = array<i64: 1, 1, 1024>}]} {
    %eq3A = arith.constant 0 : i32
    %eq3A_0 = arith.cmpi eq, %arg0, %eq3A : i32
    %convert_element_type3A = arith.extui %eq3A_0 : i1 to i32
    %cond3A = arith.constant 0 : i32
    %cond3A_1 = arith.cmpi ne, %convert_element_type3A, %cond3A : i32
    scf.if %cond3A_1 {
      %get3A_64 = arith.constant 0 : index
      %get3A_65 = arith.constant 0 : index
      %get3A_66 = vector.load %arg2[%get3A_64, %get3A_65] : memref<64x2xf32, #tpu.memory_space<vmem>>, vector<64x1xf32>
      %mul3A_67 = arith.constant 6.10351563E-5 : f32
      %mul3A_68 = vector.broadcast %mul3A_67 : f32 to vector<64x1xf32>
      %mul3A_69 = arith.mulf %get3A_66, %mul3A_68 : vector<64x1xf32>
      %get3A_70 = arith.constant 0 : index
      %get3A_71 = arith.constant 1 : index
      %get3A_72 = vector.load %arg2[%get3A_70, %get3A_71] : memref<64x2xf32, #tpu.memory_space<vmem>>, vector<64x1xf32>
      %mul3A_73 = arith.constant 6.10351563E-5 : f32
      %mul3A_74 = vector.broadcast %mul3A_73 : f32 to vector<64x1xf32>
      %mul3A_75 = arith.mulf %get3A_72, %mul3A_74 : vector<64x1xf32>
      %mul3A_76 = arith.mulf %mul3A_69, %mul3A_69 : vector<64x1xf32>
      %sub3A_77 = arith.subf %mul3A_75, %mul3A_76 : vector<64x1xf32>
      %swap3A_78 = arith.constant 0 : index
      %swap3A_79 = arith.constant 0 : index
      %swap3A_80 = vector.load %arg9[%swap3A_78, %swap3A_79] : memref<64x1xf32, #tpu.memory_space<vmem>>, vector<64x1xf32>
      tpu.vector_store %arg9[%swap3A_78, %swap3A_79], %mul3A_69 {strides = array<i32>} : memref<64x1xf32, #tpu.memory_space<vmem>>, vector<64x1xf32>,
      %add3A_81 = arith.constant 9.99999974E-6 : f32
      %add3A_82 = vector.broadcast %add3A_81 : f32 to vector<64x1xf32>
      %add3A_83 = arith.addf %sub3A_77, %add3A_82 : vector<64x1xf32>
      %sqrt3A = math.sqrt %add3A_83 : vector<64x1xf32>
      %swap3A_84 = arith.constant 0 : index
      %swap3A_85 = arith.constant 0 : index
      %swap3A_86 = vector.load %arg10[%swap3A_84, %swap3A_85] : memref<64x1xf32, #tpu.memory_space<vmem>>, vector<64x1xf32>
      tpu.vector_store %arg10[%swap3A_84, %swap3A_85], %sqrt3A {strides = array<i32>} : memref<64x1xf32, #tpu.memory_space<vmem>>, vector<64x1xf32>,
      %get3A_87 = arith.constant 0 : index
      %get3A_88 = arith.constant 0 : index
      %get3A_89 = vector.load %arg5[%get3A_87, %get3A_88] : memref<1024x64xf32, #tpu.memory_space<vmem>>, vector<1024x64xf32>
      %mul3A_90 = arith.mulf %get3A_89, %get3A_89 : vector<1024x64xf32>
      %reduce_sum3A_91 = arith.constant dense<0.000000e+00> : vector<1024xf32>
      %reduce_sum3A_92 = vector.multi_reduction <add>, %mul3A_90, %reduce_sum3A_91 [1] : vector<1024x64xf32> to vector<1024xf32>
      %broadcast_in_dim3A_93 = vector.shape_cast %reduce_sum3A_92 : vector<1024xf32> to vector<1024x1xf32>
      %swap3A_94 = arith.constant 0 : index
      %swap3A_95 = arith.constant 0 : index
      %swap3A_96 = vector.load %arg11[%swap3A_94, %swap3A_95] : memref<1024x1xf32, #tpu.memory_space<vmem>>, vector<1024x1xf32>
      tpu.vector_store %arg11[%swap3A_94, %swap3A_95], %broadcast_in_dim3A_93 {strides = array<i32>} : memref<1024x1xf32, #tpu.memory_space<vmem>>, vector<1024x1xf32>,
    } else {
    }
    %get3A = arith.constant 0 : index
    %get3A_2 = arith.constant 0 : index
    %get3A_3 = arith.constant 0 : index
    %get3A_4 = vector.load %arg1[%get3A, %get3A_2, %get3A_3] : memref<1x64x1024xf32, #tpu.memory_space<vmem>>, vector<1x64x1024xf32>
    %get3A_5 = vector.shape_cast %get3A_4 : vector<1x64x1024xf32> to vector<64x1024xf32>
    %get3A_6 = arith.constant 0 : index
    %get3A_7 = arith.constant 0 : index
    %get3A_8 = vector.load %arg9[%get3A_6, %get3A_7] : memref<64x1xf32, #tpu.memory_space<vmem>>, vector<64x1xf32>
    %sub3A = vector.broadcast %get3A_8 : vector<64x1xf32> to vector<64x1024xf32>
    %sub3A_9 = arith.subf %get3A_5, %sub3A : vector<64x1024xf32>
    %get3A_10 = arith.constant 0 : index
    %get3A_11 = arith.constant 0 : index
    %get3A_12 = vector.load %arg10[%get3A_10, %get3A_11] : memref<64x1xf32, #tpu.memory_space<vmem>>, vector<64x1xf32>
    %div3A = vector.broadcast %get3A_12 : vector<64x1xf32> to vector<64x1024xf32>
    %div3A_13 = arith.divf %sub3A_9, %div3A : vector<64x1024xf32>
    %get3A_14 = arith.constant 0 : index
    %get3A_15 = arith.constant 0 : index
    %get3A_16 = vector.load %arg3[%get3A_14, %get3A_15] : memref<64x1xf32, #tpu.memory_space<vmem>>, vector<64x1xf32>
    %mul3A = vector.broadcast %get3A_16 : vector<64x1xf32> to vector<64x1024xf32>
    %mul3A_17 = arith.mulf %div3A_13, %mul3A : vector<64x1024xf32>
    %get3A_18 = arith.constant 0 : index
    %get3A_19 = arith.constant 0 : index
    %get3A_20 = vector.load %arg4[%get3A_18, %get3A_19] : memref<64x1xf32, #tpu.memory_space<vmem>>, vector<64x1xf32>
    %add3A = vector.broadcast %get3A_20 : vector<64x1xf32> to vector<64x1024xf32>
    %add3A_21 = arith.addf %mul3A_17, %add3A : vector<64x1024xf32>
    %swap3A = arith.constant 0 : index
    %swap3A_22 = arith.constant 0 : index
    %swap3A_23 = arith.constant 0 : index
    %swap3A_24 = vector.load %arg6[%swap3A, %swap3A_22, %swap3A_23] : memref<1x64x1024xf32, #tpu.memory_space<vmem>>, vector<1x64x1024xf32>
    %swap3A_25 = vector.shape_cast %swap3A_24 : vector<1x64x1024xf32> to vector<64x1024xf32>
    %swap3A_26 = vector.shape_cast %add3A_21 : vector<64x1024xf32> to vector<1x64x1024xf32>
    tpu.vector_store %arg6[%swap3A, %swap3A_22, %swap3A_23], %swap3A_26 {strides = array<i32>} : memref<1x64x1024xf32, #tpu.memory_space<vmem>>, vector<1x64x1024xf32>,
    %transpose3A = tpu.transpose %add3A_21, [1, 0] : vector<64x1024xf32> -> vector<1024x64xf32>
    %broadcast_in_dim3A = arith.constant 1.000000e+00 : f32
    %broadcast_in_dim3A_27 = vector.broadcast %broadcast_in_dim3A : f32 to vector<1024x1xf32>
    %broadcast_in_dim3A_28 = arith.constant 0.000000e+00 : f32
    %broadcast_in_dim3A_29 = vector.broadcast %broadcast_in_dim3A_28 : f32 to vector<1024x63xf32>
    %concatenate3A = tpu.concatenate %transpose3A, %broadcast_in_dim3A_27, %broadcast_in_dim3A_29 in 1 : vector<1024x64xf32>, vector<1024x1xf32>, vector<1024x63xf32> -> vector<1024x128xf32>
    %swap3A_30 = arith.constant 0 : index
    %swap3A_31 = arith.constant 0 : index
    %swap3A_32 = vector.load %arg7[%swap3A_30, %swap3A_31] : memref<1024x128xf32, #tpu.memory_space<vmem>>, vector<1024x128xf32>
    tpu.vector_store %arg7[%swap3A_30, %swap3A_31], %concatenate3A {strides = array<i32>} : memref<1024x128xf32, #tpu.memory_space<vmem>>, vector<1024x128xf32>,
    %mul3A_33 = arith.mulf %add3A_21, %add3A_21 : vector<64x1024xf32>
    %reduce_sum3A = arith.constant dense<0.000000e+00> : vector<1024xf32>
    %reduce_sum3A_34 = vector.multi_reduction <add>, %mul3A_33, %reduce_sum3A [0] : vector<64x1024xf32> to vector<1024xf32>
    %broadcast_in_dim3A_35 = vector.shape_cast %reduce_sum3A_34 : vector<1024xf32> to vector<1x1024xf32>
    %get3A_36 = arith.constant 0 : index
    %get3A_37 = arith.constant 0 : index
    %get3A_38 = vector.load %arg5[%get3A_36, %get3A_37] : memref<1024x64xf32, #tpu.memory_space<vmem>>, vector<1024x64xf32>
    %dot_general3A = arith.constant dense<0.000000e+00> : vector<1024x1024xf32>
    %dot_general3A_39 = tpu.matmul %get3A_38, %add3A_21, %dot_general3A {dimension_numbers = #tpu.dot_dimension_numbers<[1], [0], [0], [1], [0, 0, 1, 1], [], []>, transpose_lhs_hint = false} : vector<1024x64xf32>, vector<64x1024xf32>, vector<1024x1024xf32> -> vector<1024x1024xf32>
    %get3A_40 = arith.constant 0 : index
    %get3A_41 = arith.constant 0 : index
    %get3A_42 = vector.load %arg11[%get3A_40, %get3A_41] : memref<1024x1xf32, #tpu.memory_space<vmem>>, vector<1024x1xf32>
    %add3A_43 = vector.broadcast %broadcast_in_dim3A_35 : vector<1x1024xf32> to vector<1024x1024xf32>
    %add3A_44 = vector.broadcast %get3A_42 : vector<1024x1xf32> to vector<1024x1024xf32>
    %add3A_45 = arith.addf %add3A_43, %add3A_44 : vector<1024x1024xf32>
    %mul3A_46 = arith.constant 2.000000e+00 : f32
    %mul3A_47 = vector.broadcast %mul3A_46 : f32 to vector<1024x1024xf32>
    %mul3A_48 = arith.mulf %mul3A_47, %dot_general3A_39 : vector<1024x1024xf32>
    %sub3A_49 = arith.subf %add3A_45, %mul3A_48 : vector<1024x1024xf32>
    %reduce_min3A = arith.constant dense<0x7F800000> : vector<1024xf32>
    %reduce_min3A_50 = vector.multi_reduction <minimumf>, %sub3A_49, %reduce_min3A [0] : vector<1024x1024xf32> to vector<1024xf32>
    %broadcast_in_dim3A_51 = vector.shape_cast %reduce_min3A_50 : vector<1024xf32> to vector<1x1024xf32>
    %iota3A = tpu.iota {dimensions = array<i32: 0>} : vector<1024x1024xi32>
    %eq3A_52 = vector.broadcast %broadcast_in_dim3A_51 : vector<1x1024xf32> to vector<1024x1024xf32>
    %eq3A_53 = arith.cmpf oeq, %sub3A_49, %eq3A_52 : vector<1024x1024xf32>
    %jit3A = arith.constant 1024 : i32
    %broadcast_in_dim3A_54 = vector.broadcast %jit3A : i32 to vector<1024x1024xi32>
    %select_n3A = arith.select %eq3A_53, %iota3A, %broadcast_in_dim3A_54 : vector<1024x1024xi1>, vector<1024x1024xi32>
    %reduce_min3A_55 = arith.constant dense<2147483647> : vector<1024xi32>
    %reduce_min3A_56 = vector.multi_reduction <minsi>, %select_n3A, %reduce_min3A_55 [0] : vector<1024x1024xi32> to vector<1024xi32>
    %broadcast_in_dim3A_57 = vector.shape_cast %reduce_min3A_56 : vector<1024xi32> to vector<1x1024xi32>
    %swap3A_58 = arith.constant 0 : index
    %swap3A_59 = arith.constant 0 : index
    %swap3A_60 = arith.constant 0 : index
    %swap3A_61 = vector.load %arg8[%swap3A_58, %swap3A_59, %swap3A_60] : memref<1x1x1024xi32, #tpu.memory_space<vmem>>, vector<1x1x1024xi32>
    %swap3A_62 = vector.shape_cast %swap3A_61 : vector<1x1x1024xi32> to vector<1x1024xi32>
    %swap3A_63 = vector.shape_cast %broadcast_in_dim3A_57 : vector<1x1024xi32> to vector<1x1x1024xi32>
    tpu.vector_store %arg8[%swap3A_58, %swap3A_59, %swap3A_60], %swap3A_63 {strides = array<i32>} : memref<1x1x1024xi32, #tpu.memory_space<vmem>>, vector<1x1x1024xi32>,
    return
  }
  func.func @transform_0(%arg0: i32) -> (i32, i32, i32) {
    %c0_i32 = arith.constant 0 : i32
    %c0_i32_0 = arith.constant 0 : i32
    %c0_i32_1 = arith.constant 0 : i32
    return %arg0, %c0_i32, %c0_i32_0 : i32, i32, i32
  }
  func.func @transform_1(%arg0: i32) -> (i32, i32) {
    %c0_i32 = arith.constant 0 : i32
    %c0_i32_0 = arith.constant 0 : i32
    %c0_i32_1 = arith.constant 0 : i32
    return %c0_i32, %c0_i32_0 : i32, i32
  }
  func.func @transform_2(%arg0: i32) -> (i32, i32) {
    %c0_i32 = arith.constant 0 : i32
    %c0_i32_0 = arith.constant 0 : i32
    %c0_i32_1 = arith.constant 0 : i32
    return %c0_i32, %c0_i32_0 : i32, i32
  }
  func.func @transform_3(%arg0: i32) -> (i32, i32) {
    %c0_i32 = arith.constant 0 : i32
    %c0_i32_0 = arith.constant 0 : i32
    %c0_i32_1 = arith.constant 0 : i32
    return %c0_i32, %c0_i32_0 : i32, i32
  }
  func.func @transform_4(%arg0: i32) -> (i32, i32) {
    %c0_i32 = arith.constant 0 : i32
    %c0_i32_0 = arith.constant 0 : i32
    %c0_i32_1 = arith.constant 0 : i32
    return %c0_i32, %c0_i32_0 : i32, i32
  }
  func.func @transform_5(%arg0: i32) -> (i32, i32, i32) {
    %c0_i32 = arith.constant 0 : i32
    %c0_i32_0 = arith.constant 0 : i32
    %c0_i32_1 = arith.constant 0 : i32
    return %arg0, %c0_i32, %c0_i32_0 : i32, i32, i32
  }
  func.func @transform_6(%arg0: i32) -> (i32, i32) {
    %c0_i32 = arith.constant 0 : i32
    %c0_i32_0 = arith.constant 0 : i32
    return %arg0, %c0_i32 : i32, i32
  }
  func.func @transform_7(%arg0: i32) -> (i32, i32, i32) {
    %c0_i32 = arith.constant 0 : i32
    %c0_i32_0 = arith.constant 0 : i32
    %c0_i32_1 = arith.constant 0 : i32
    return %arg0, %c0_i32, %c0_i32_0 : i32, i32, i32
  }
}

module attributes {stable_mosaic.version = 14 : i64} {
  func.func @_k4_body(%arg0: i32, %arg1: memref<1024x128xf32, #tpu.memory_space<vmem>>, %arg2: memref<256x64xf32, #tpu.memory_space<vmem>>, %arg3: memref<256x1xf32, #tpu.memory_space<vmem>>, %arg4: memref<256x1xf32, #tpu.memory_space<vmem>>, %arg5: memref<256x1xf32, #tpu.memory_space<vmem>>, %arg6: memref<2x1024x128xf32, #tpu.memory_space<vmem>>, %arg7: memref<1024x64xf32, #tpu.memory_space<vmem>>, %arg8: memref<1x256x1024xf32, #tpu.memory_space<vmem>>, %arg9: memref<1x64x1024xf32, #tpu.memory_space<vmem>>, %arg10: memref<1024x64xf32, #tpu.memory_space<vmem>>, %arg11: memref<256x1xf32, #tpu.memory_space<vmem>>, %arg12: memref<256x1xf32, #tpu.memory_space<vmem>>) attributes {dimension_semantics = [#tpu.dimension_semantics<arbitrary>], iteration_bounds = array<i64: 16>, scalar_prefetch = 0 : i64, scratch_operands = 2 : i64, tpu.core_type = #tpu.core_type<tc>, window_params = [{transform_indices = @transform_0, window_bounds = array<i64: 1024, 128>}, {pipeline_mode = #tpu.pipeline_mode<synchronous>, transform_indices = @transform_1, window_bounds = array<i64: 256, 64>}, {pipeline_mode = #tpu.pipeline_mode<synchronous>, transform_indices = @transform_2, window_bounds = array<i64: 256, 1>}, {pipeline_mode = #tpu.pipeline_mode<synchronous>, transform_indices = @transform_3, window_bounds = array<i64: 256, 1>}, {pipeline_mode = #tpu.pipeline_mode<synchronous>, transform_indices = @transform_4, window_bounds = array<i64: 256, 1>}, {pipeline_mode = #tpu.pipeline_mode<synchronous>, transform_indices = @transform_5, window_bounds = array<i64: 2, 1024, 128>}, {pipeline_mode = #tpu.pipeline_mode<synchronous>, transform_indices = @transform_6, window_bounds = array<i64: 1024, 64>}, {transform_indices = @transform_7, window_bounds = array<i64: 1, 256, 1024>}, {transform_indices = @transform_8, window_bounds = array<i64: 1, 64, 1024>}, {pipeline_mode = #tpu.pipeline_mode<synchronous>, transform_indices = @transform_9, window_bounds = array<i64: 1024, 64>}]} {
    %eq3A = arith.constant 0 : i32
    %eq3A_0 = arith.cmpi eq, %arg0, %eq3A : i32
    %convert_element_type3A = arith.extui %eq3A_0 : i1 to i32
    %cond3A = arith.constant 0 : i32
    %cond3A_1 = arith.cmpi ne, %convert_element_type3A, %cond3A : i32
    scf.if %cond3A_1 {
      %get3A_41 = arith.constant 0 : index
      %get3A_42 = arith.constant 0 : index
      %get3A_43 = vector.load %arg7[%get3A_41, %get3A_42] : memref<1024x64xf32, #tpu.memory_space<vmem>>, vector<1024x64xf32>
      %get3A_44 = arith.constant 0 : index
      %get3A_45 = arith.constant 0 : index
      %get3A_46 = arith.constant 64 : index
      %get3A_47 = vector.load %arg6[%get3A_44, %get3A_45, %get3A_46] : memref<2x1024x128xf32, #tpu.memory_space<vmem>>, vector<1x1024x1xf32>
      %get3A_48 = vector.shape_cast %get3A_47 : vector<1x1024x1xf32> to vector<1024x1xf32>
      %get3A_49 = arith.constant 1 : index
      %get3A_50 = arith.constant 0 : index
      %get3A_51 = arith.constant 64 : index
      %get3A_52 = vector.load %arg6[%get3A_49, %get3A_50, %get3A_51] : memref<2x1024x128xf32, #tpu.memory_space<vmem>>, vector<1x1024x1xf32>
      %get3A_53 = vector.shape_cast %get3A_52 : vector<1x1024x1xf32> to vector<1024x1xf32>
      %add3A_54 = arith.addf %get3A_48, %get3A_53 : vector<1024x1xf32>
      %mul3A_55 = vector.broadcast %add3A_54 : vector<1024x1xf32> to vector<1024x64xf32>
      %mul3A_56 = arith.mulf %get3A_43, %mul3A_55 : vector<1024x64xf32>
      %reduce_sum3A = arith.constant dense<0.000000e+00> : vector<64xf32>
      %reduce_sum3A_57 = vector.multi_reduction <add>, %mul3A_56, %reduce_sum3A [0] : vector<1024x64xf32> to vector<64xf32>
      %broadcast_in_dim3A = vector.shape_cast %reduce_sum3A_57 : vector<64xf32> to vector<1x64xf32>
      %dot_general3A_58 = arith.constant dense<0.000000e+00> : vector<64x64xf32>
      %dot_general3A_59 = tpu.matmul %mul3A_56, %get3A_43, %dot_general3A_58 {dimension_numbers = #tpu.dot_dimension_numbers<[0], [0], [1], [1], [0, 1, 1, 1], [], []>, precision = #tpu.contract_precision<fp32>, transpose_lhs_hint = false} : vector<1024x64xf32>, vector<1024x64xf32>, vector<64x64xf32> -> vector<64x64xf32>
      %get3A_60 = arith.constant 0 : index
      %get3A_61 = arith.constant 0 : index
      %get3A_62 = vector.load %arg2[%get3A_60, %get3A_61] : memref<256x64xf32, #tpu.memory_space<vmem>>, vector<256x64xf32>
      %dot_general3A_63 = arith.constant dense<0.000000e+00> : vector<256x64xf32>
      %dot_general3A_64 = tpu.matmul %get3A_62, %dot_general3A_59, %dot_general3A_63 {dimension_numbers = #tpu.dot_dimension_numbers<[1], [0], [0], [1], [0, 0, 1, 1], [], []>, precision = #tpu.contract_precision<fp32>, transpose_lhs_hint = false} : vector<256x64xf32>, vector<64x64xf32>, vector<256x64xf32> -> vector<256x64xf32>
      %get3A_65 = arith.constant 0 : index
      %get3A_66 = arith.constant 0 : index
      %get3A_67 = vector.load %arg2[%get3A_65, %get3A_66] : memref<256x64xf32, #tpu.memory_space<vmem>>, vector<256x64xf32>
      %mul3A_68 = arith.mulf %dot_general3A_64, %get3A_67 : vector<256x64xf32>
      %reduce_sum3A_69 = arith.constant dense<0.000000e+00> : vector<256xf32>
      %reduce_sum3A_70 = vector.multi_reduction <add>, %mul3A_68, %reduce_sum3A_69 [1] : vector<256x64xf32> to vector<256xf32>
      %broadcast_in_dim3A_71 = vector.shape_cast %reduce_sum3A_70 : vector<256xf32> to vector<256x1xf32>
      %mul3A_72 = arith.constant 6.10351563E-5 : f32
      %mul3A_73 = vector.broadcast %mul3A_72 : f32 to vector<256x1xf32>
      %mul3A_74 = arith.mulf %broadcast_in_dim3A_71, %mul3A_73 : vector<256x1xf32>
      %get3A_75 = arith.constant 0 : index
      %get3A_76 = arith.constant 0 : index
      %get3A_77 = vector.load %arg2[%get3A_75, %get3A_76] : memref<256x64xf32, #tpu.memory_space<vmem>>, vector<256x64xf32>
      %dot_general3A_78 = arith.constant dense<0.000000e+00> : vector<256x1xf32>
      %dot_general3A_79 = tpu.matmul %get3A_77, %broadcast_in_dim3A, %dot_general3A_78 {dimension_numbers = #tpu.dot_dimension_numbers<[1], [1], [0], [0], [0, 0, 1, 0], [], []>, precision = #tpu.contract_precision<fp32>, transpose_lhs_hint = false} : vector<256x64xf32>, vector<1x64xf32>, vector<256x1xf32> -> vector<256x1xf32>
      %mul3A_80 = arith.constant 6.10351563E-5 : f32
      %mul3A_81 = vector.broadcast %mul3A_80 : f32 to vector<256x1xf32>
      %mul3A_82 = arith.mulf %dot_general3A_79, %mul3A_81 : vector<256x1xf32>
      %get3A_83 = arith.constant 0 : index
      %get3A_84 = arith.constant 0 : index
      %get3A_85 = vector.load %arg3[%get3A_83, %get3A_84] : memref<256x1xf32, #tpu.memory_space<vmem>>, vector<256x1xf32>
      %add3A_86 = arith.addf %mul3A_82, %get3A_85 : vector<256x1xf32>
      %mul3A_87 = arith.constant 2.000000e+00 : f32
      %mul3A_88 = vector.broadcast %mul3A_87 : f32 to vector<256x1xf32>
      %mul3A_89 = arith.mulf %mul3A_88, %get3A_85 : vector<256x1xf32>
      %mul3A_90 = arith.mulf %mul3A_89, %mul3A_82 : vector<256x1xf32>
      %add3A_91 = arith.addf %mul3A_74, %mul3A_90 : vector<256x1xf32>
      %mul3A_92 = arith.mulf %get3A_85, %get3A_85 : vector<256x1xf32>
      %add3A_93 = arith.addf %add3A_91, %mul3A_92 : vector<256x1xf32>
      %mul3A_94 = arith.mulf %add3A_86, %add3A_86 : vector<256x1xf32>
      %sub3A_95 = arith.subf %add3A_93, %mul3A_94 : vector<256x1xf32>
      %add3A_96 = arith.constant 9.99999974E-6 : f32
      %add3A_97 = vector.broadcast %add3A_96 : f32 to vector<256x1xf32>
      %add3A_98 = arith.addf %sub3A_95, %add3A_97 : vector<256x1xf32>
      %sqrt3A = math.sqrt %add3A_98 : vector<256x1xf32>
      %div3A = arith.constant 1.000000e+00 : f32
      %div3A_99 = vector.broadcast %div3A : f32 to vector<256x1xf32>
      %div3A_100 = arith.divf %div3A_99, %sqrt3A : vector<256x1xf32>
      %swap3A_101 = arith.constant 0 : index
      %swap3A_102 = arith.constant 0 : index
      %swap3A_103 = vector.load %arg11[%swap3A_101, %swap3A_102] : memref<256x1xf32, #tpu.memory_space<vmem>>, vector<256x1xf32>
      tpu.vector_store %arg11[%swap3A_101, %swap3A_102], %add3A_86 {strides = array<i32>} : memref<256x1xf32, #tpu.memory_space<vmem>>, vector<256x1xf32>,
      %get3A_104 = arith.constant 0 : index
      %get3A_105 = arith.constant 0 : index
      %get3A_106 = vector.load %arg4[%get3A_104, %get3A_105] : memref<256x1xf32, #tpu.memory_space<vmem>>, vector<256x1xf32>
      %mul3A_107 = arith.mulf %div3A_100, %get3A_106 : vector<256x1xf32>
      %swap3A_108 = arith.constant 0 : index
      %swap3A_109 = arith.constant 0 : index
      %swap3A_110 = vector.load %arg12[%swap3A_108, %swap3A_109] : memref<256x1xf32, #tpu.memory_space<vmem>>, vector<256x1xf32>
      tpu.vector_store %arg12[%swap3A_108, %swap3A_109], %mul3A_107 {strides = array<i32>} : memref<256x1xf32, #tpu.memory_space<vmem>>, vector<256x1xf32>,
    } else {
    }
    %get3A = arith.constant 0 : index
    %get3A_2 = arith.constant 0 : index
    %get3A_3 = vector.load %arg1[%get3A, %get3A_2] : memref<1024x128xf32, #tpu.memory_space<vmem>>, vector<1024x128xf32>
    %slice3A = vector.extract_strided_slice %get3A_3 {offsets = [0, 0], sizes = [1024, 64], strides = [1, 1]} : vector<1024x128xf32> to vector<1024x64xf32>
    %get3A_4 = arith.constant 0 : index
    %get3A_5 = arith.constant 0 : index
    %get3A_6 = vector.load %arg2[%get3A_4, %get3A_5] : memref<256x64xf32, #tpu.memory_space<vmem>>, vector<256x64xf32>
    %dot_general3A = arith.constant dense<0.000000e+00> : vector<256x1024xf32>
    %dot_general3A_7 = tpu.matmul %get3A_6, %slice3A, %dot_general3A {dimension_numbers = #tpu.dot_dimension_numbers<[1], [1], [0], [0], [0, 0, 1, 0], [], []>, transpose_lhs_hint = false} : vector<256x64xf32>, vector<1024x64xf32>, vector<256x1024xf32> -> vector<256x1024xf32>
    %get3A_8 = arith.constant 0 : index
    %get3A_9 = arith.constant 0 : index
    %get3A_10 = vector.load %arg3[%get3A_8, %get3A_9] : memref<256x1xf32, #tpu.memory_space<vmem>>, vector<256x1xf32>
    %add3A = vector.broadcast %get3A_10 : vector<256x1xf32> to vector<256x1024xf32>
    %add3A_11 = arith.addf %dot_general3A_7, %add3A : vector<256x1024xf32>
    %get3A_12 = arith.constant 0 : index
    %get3A_13 = arith.constant 0 : index
    %get3A_14 = vector.load %arg11[%get3A_12, %get3A_13] : memref<256x1xf32, #tpu.memory_space<vmem>>, vector<256x1xf32>
    %sub3A = vector.broadcast %get3A_14 : vector<256x1xf32> to vector<256x1024xf32>
    %sub3A_15 = arith.subf %add3A_11, %sub3A : vector<256x1024xf32>
    %get3A_16 = arith.constant 0 : index
    %get3A_17 = arith.constant 0 : index
    %get3A_18 = vector.load %arg12[%get3A_16, %get3A_17] : memref<256x1xf32, #tpu.memory_space<vmem>>, vector<256x1xf32>
    %mul3A = vector.broadcast %get3A_18 : vector<256x1xf32> to vector<256x1024xf32>
    %mul3A_19 = arith.mulf %sub3A_15, %mul3A : vector<256x1024xf32>
    %get3A_20 = arith.constant 0 : index
    %get3A_21 = arith.constant 0 : index
    %get3A_22 = vector.load %arg5[%get3A_20, %get3A_21] : memref<256x1xf32, #tpu.memory_space<vmem>>, vector<256x1xf32>
    %add3A_23 = vector.broadcast %get3A_22 : vector<256x1xf32> to vector<256x1024xf32>
    %add3A_24 = arith.addf %mul3A_19, %add3A_23 : vector<256x1024xf32>
    %swap3A = arith.constant 0 : index
    %swap3A_25 = arith.constant 0 : index
    %swap3A_26 = arith.constant 0 : index
    %swap3A_27 = vector.load %arg8[%swap3A, %swap3A_25, %swap3A_26] : memref<1x256x1024xf32, #tpu.memory_space<vmem>>, vector<1x256x1024xf32>
    %swap3A_28 = vector.shape_cast %swap3A_27 : vector<1x256x1024xf32> to vector<256x1024xf32>
    %swap3A_29 = vector.shape_cast %add3A_24 : vector<256x1024xf32> to vector<1x256x1024xf32>
    tpu.vector_store %arg8[%swap3A, %swap3A_25, %swap3A_26], %swap3A_29 {strides = array<i32>} : memref<1x256x1024xf32, #tpu.memory_space<vmem>>, vector<1x256x1024xf32>,
    %transpose3A = tpu.transpose %slice3A, [1, 0] : vector<1024x64xf32> -> vector<64x1024xf32>
    %swap3A_30 = arith.constant 0 : index
    %swap3A_31 = arith.constant 0 : index
    %swap3A_32 = arith.constant 0 : index
    %swap3A_33 = vector.load %arg9[%swap3A_30, %swap3A_31, %swap3A_32] : memref<1x64x1024xf32, #tpu.memory_space<vmem>>, vector<1x64x1024xf32>
    %swap3A_34 = vector.shape_cast %swap3A_33 : vector<1x64x1024xf32> to vector<64x1024xf32>
    %swap3A_35 = vector.shape_cast %transpose3A : vector<64x1024xf32> to vector<1x64x1024xf32>
    tpu.vector_store %arg9[%swap3A_30, %swap3A_31, %swap3A_32], %swap3A_35 {strides = array<i32>} : memref<1x64x1024xf32, #tpu.memory_space<vmem>>, vector<1x64x1024xf32>,
    %eq3A_36 = arith.constant 15 : i32
    %eq3A_37 = arith.cmpi eq, %arg0, %eq3A_36 : i32
    %convert_element_type3A_38 = arith.extui %eq3A_37 : i1 to i32
    %cond3A_39 = arith.constant 0 : i32
    %cond3A_40 = arith.cmpi ne, %convert_element_type3A_38, %cond3A_39 : i32
    scf.if %cond3A_40 {
      %get3A_41 = arith.constant 0 : index
      %get3A_42 = arith.constant 0 : index
      %get3A_43 = arith.constant 0 : index
      %get3A_44 = vector.load %arg6[%get3A_41, %get3A_42, %get3A_43] : memref<2x1024x128xf32, #tpu.memory_space<vmem>>, vector<1x1024x128xf32>
      %get3A_45 = vector.shape_cast %get3A_44 : vector<1x1024x128xf32> to vector<1024x128xf32>
      %get3A_46 = arith.constant 1 : index
      %get3A_47 = arith.constant 0 : index
      %get3A_48 = arith.constant 0 : index
      %get3A_49 = vector.load %arg6[%get3A_46, %get3A_47, %get3A_48] : memref<2x1024x128xf32, #tpu.memory_space<vmem>>, vector<1x1024x128xf32>
      %get3A_50 = vector.shape_cast %get3A_49 : vector<1x1024x128xf32> to vector<1024x128xf32>
      %add3A_51 = arith.addf %get3A_45, %get3A_50 : vector<1024x128xf32>
      %slice3A_52 = vector.extract_strided_slice %add3A_51 {offsets = [0, 0], sizes = [1024, 64], strides = [1, 1]} : vector<1024x128xf32> to vector<1024x64xf32>
      %slice3A_53 = vector.extract_strided_slice %add3A_51 {offsets = [0, 64], sizes = [1024, 1], strides = [1, 1]} : vector<1024x128xf32> to vector<1024x1xf32>
      %mul3A_54 = arith.constant 0.00999999977 : f32
      %mul3A_55 = vector.broadcast %mul3A_54 : f32 to vector<1024x1xf32>
      %mul3A_56 = arith.mulf %slice3A_53, %mul3A_55 : vector<1024x1xf32>
      %div3A = arith.constant 0.00999999977 : f32
      %div3A_57 = vector.broadcast %div3A : f32 to vector<1024x1xf32>
      %div3A_58 = arith.divf %mul3A_56, %div3A_57 : vector<1024x1xf32>
      %reduce_sum3A = vector.shape_cast %div3A_58 : vector<1024x1xf32> to vector<1x1024x1xf32>
      %reduce_sum3A_59 = arith.constant dense<0.000000e+00> : vector<1xf32>
      %reduce_sum3A_60 = vector.multi_reduction <add>, %reduce_sum3A, %reduce_sum3A_59 [1, 2] : vector<1x1024x1xf32> to vector<1xf32>
      %reduce_sum3A_61 = vector.shape_cast %reduce_sum3A_60 : vector<1xf32> to vector<1x1x1xf32>
      %reduce_sum3A_62 = vector.extract %reduce_sum3A_61[0, 0, 0] : f32 from vector<1x1x1xf32>
      %add3A_63 = arith.constant 9.99999974E-6 : f32
      %add3A_64 = vector.broadcast %add3A_63 : f32 to vector<1024x1xf32>
      %add3A_65 = arith.addf %div3A_58, %add3A_64 : vector<1024x1xf32>
      %add3A_66 = arith.constant 1.024000e-02 : f32
      %add3A_67 = arith.addf %reduce_sum3A_62, %add3A_66 : f32
      %div3A_68 = vector.broadcast %add3A_67 : f32 to vector<1024x1xf32>
      %div3A_69 = arith.divf %add3A_65, %div3A_68 : vector<1024x1xf32>
      %mul3A_70 = vector.broadcast %reduce_sum3A_62 : f32 to vector<1024x1xf32>
      %mul3A_71 = arith.mulf %div3A_69, %mul3A_70 : vector<1024x1xf32>
      %mul3A_72 = arith.constant 0.00999999977 : f32
      %mul3A_73 = vector.broadcast %mul3A_72 : f32 to vector<1024x64xf32>
      %mul3A_74 = arith.mulf %slice3A_52, %mul3A_73 : vector<1024x64xf32>
      %div3A_75 = arith.constant 0.00999999977 : f32
      %div3A_76 = vector.broadcast %div3A_75 : f32 to vector<1024x64xf32>
      %div3A_77 = arith.divf %mul3A_74, %div3A_76 : vector<1024x64xf32>
      %div3A_78 = vector.broadcast %mul3A_71 : vector<1024x1xf32> to vector<1024x64xf32>
      %div3A_79 = arith.divf %div3A_77, %div3A_78 : vector<1024x64xf32>
      %swap3A_80 = arith.constant 0 : index
      %swap3A_81 = arith.constant 0 : index
      %swap3A_82 = vector.load %arg10[%swap3A_80, %swap3A_81] : memref<1024x64xf32, #tpu.memory_space<vmem>>, vector<1024x64xf32>
      tpu.vector_store %arg10[%swap3A_80, %swap3A_81], %div3A_79 {strides = array<i32>} : memref<1024x64xf32, #tpu.memory_space<vmem>>, vector<1024x64xf32>,
    } else {
    }
    return
  }
  func.func @transform_0(%arg0: i32) -> (i32, i32) {
    %c0_i32 = arith.constant 0 : i32
    %c0_i32_0 = arith.constant 0 : i32
    return %arg0, %c0_i32 : i32, i32
  }
  func.func @transform_1(%arg0: i32) -> (i32, i32) {
    %c0_i32 = arith.constant 0 : i32
    %c0_i32_0 = arith.constant 0 : i32
    %c0_i32_1 = arith.constant 0 : i32
    return %c0_i32, %c0_i32_0 : i32, i32
  }
  func.func @transform_2(%arg0: i32) -> (i32, i32) {
    %c0_i32 = arith.constant 0 : i32
    %c0_i32_0 = arith.constant 0 : i32
    %c0_i32_1 = arith.constant 0 : i32
    return %c0_i32, %c0_i32_0 : i32, i32
  }
  func.func @transform_3(%arg0: i32) -> (i32, i32) {
    %c0_i32 = arith.constant 0 : i32
    %c0_i32_0 = arith.constant 0 : i32
    %c0_i32_1 = arith.constant 0 : i32
    return %c0_i32, %c0_i32_0 : i32, i32
  }
  func.func @transform_4(%arg0: i32) -> (i32, i32) {
    %c0_i32 = arith.constant 0 : i32
    %c0_i32_0 = arith.constant 0 : i32
    %c0_i32_1 = arith.constant 0 : i32
    return %c0_i32, %c0_i32_0 : i32, i32
  }
  func.func @transform_5(%arg0: i32) -> (i32, i32, i32) {
    %c0_i32 = arith.constant 0 : i32
    %c0_i32_0 = arith.constant 0 : i32
    %c0_i32_1 = arith.constant 0 : i32
    %c0_i32_2 = arith.constant 0 : i32
    return %c0_i32, %c0_i32_0, %c0_i32_1 : i32, i32, i32
  }
  func.func @transform_6(%arg0: i32) -> (i32, i32) {
    %c0_i32 = arith.constant 0 : i32
    %c0_i32_0 = arith.constant 0 : i32
    %c0_i32_1 = arith.constant 0 : i32
    return %c0_i32, %c0_i32_0 : i32, i32
  }
  func.func @transform_7(%arg0: i32) -> (i32, i32, i32) {
    %c0_i32 = arith.constant 0 : i32
    %c0_i32_0 = arith.constant 0 : i32
    %c0_i32_1 = arith.constant 0 : i32
    return %arg0, %c0_i32, %c0_i32_0 : i32, i32, i32
  }
  func.func @transform_8(%arg0: i32) -> (i32, i32, i32) {
    %c0_i32 = arith.constant 0 : i32
    %c0_i32_0 = arith.constant 0 : i32
    %c0_i32_1 = arith.constant 0 : i32
    return %arg0, %c0_i32, %c0_i32_0 : i32, i32, i32
  }
  func.func @transform_9(%arg0: i32) -> (i32, i32) {
    %c0_i32 = arith.constant 0 : i32
    %c0_i32_0 = arith.constant 0 : i32
    %c0_i32_1 = arith.constant 0 : i32
    return %c0_i32, %c0_i32_0 : i32, i32
  }
}

</mosaic_0001>

<sc_bundles>
// kernel: kernel.6.cloned.1.call-start
scs
__scs_entry_jumppad:
0x0: {  	(pc) =	sbr.rel $0x88, $3  }
0x1: {  	(tag) =	ssettag $0x0;
	lr =	simm.s32 $0x1  }
0x2: {  	[smem:$0x3F97] =	sst lr;
	_ =	strace $0xD0000000  }
0x3: {  	_ = 	snop  }
0x4: {  	_ = 	snop  }
0x5: {  	_ = 	snop  }
0x6: {  	_ = 	snop  }
0x7: {  	_ = 	snop  }
__scs_overlays_trampoline_lowered:
0x8: {  	[smem:$0x3FA6] =	sst s0  }
0x9: {  	[smem:$0x3FA7] =	sst s1  }
0xa: {  	[smem:$0x3FA8] =	sst s2  }
0xb: {  	[smem:$0x3FA9] =	sst s3  }
0xc: {  	[smem:$0x3FAA] =	sst s4  }
0xd: {  	[smem:$0x3FAB] =	sst s5  }
0xe: {  	[smem:$0x3FAC] =	sst s6  }
0xf: {  	[smem:$0x3FAD] =	sst s7  }
0x10: {  	[smem:$0x3FAE] =	sst s8  }
0x11: {  	[smem:$0x3FAF] =	sst s9;
	s0 =	simm.s32 @!p0 $0x0  }
0x12: {  	s1 =	sld [smem:$0x3F95];
	s0 =	simm.s32 @p0 $0x1  }
0x13: {  	[smem:$0x3FB0] =	sst s0;
	s0 =	simm.s32 @!p1 $0x0  }
0x14: {  	s2 =	sld [smem:$0x3F94];
	s0 =	simm.s32 @p1 $0x1  }
0x15: {  	[smem:$0x3FB1] =	sst s0;
	s0 =	simm.s32 @!p2 $0x0  }
0x16: {  	s3 =	sld [smem:$0x3FDB];
	s0 =	simm.s32 @p2 $0x1  }
0x17: {  	s4 =	simm.s32 $0x1BF5;
	[smem:$0x3FB3] =	sst s0  }
0x18: {  	s0 =	sld [smem:$0x3F96];
	_ =	swait.ge [sflag:s4], $0x0  }
0x19: {  	s7 =	sld [smem:$0x3F97]  }
0x1a: {  	s8 =	sadd.s32 $0xFFFFE003, lr  }
0x1b: {  	s9 =	sadd.s32 $0xFFFFFEF7, lr;
	s5 =	simm.s32 $0xFFFFFFFF;
	p2 =	slt.u32 s8, $0xFFFFF086  }
0x1c: {  	p1 =	slt.u32 s9, $0xF7A;
	s5 =	simm.s32 @!p2 $0x0  }
0x1d: {  	s5 =	simm.s32 @p1 $0x1;
	p0 =	seq.s32 s7, s2  }
0x1e: {  	s7 =	smul.u32 @!p0 $0xF7A, s2;
	p2 =	seq.s32 @!p0 s5, $0x0  }
0x1f: {  	s9 =	smul.u32 $0xF7A, s1;
	s8 =	simm.s32 @!p0 $0x1BF5;
	p2 =	por !p2, p0  }
0x20: {  	[sflag:s8] =	ssyncset.s32 @!p0 $0xFFFFF086;
	s6 =	sadd.s32 @!p0 s3, s7;
	s7 =	simm.s32 @!p0 $0x108  }
0x21: {  	s3 =	sadd.s32 s3, s9;
	s6 =	sadd.s32 @!p0 $0x88, s6;
	s7 =	simm.s32 @p2 $0x1082  }
0x22: {  	[simem:s7], [sflag:s8] =	dma.local @!p0 [hbm:s6], $0xF7A  }
0x23: {  	s9 =	sor.u32 $0xD0000000, s2;
	s6 =	simm.s32 $0x108;
	_ =	swait.ge @!p0 [sflag:s8], $0x0  }
0x24: {  	s3 =	sadd.s32 $0x88, s3;
	s6 =	simm.s32 @!p1 $0x1082;
	[sflag:s4] =	ssyncset.s32 $0xFFFFF086  }
0x25: {  	[simem:s6], [sflag:s4] =	dma.local [hbm:s3], $0xF7A  }
0x26: {  	[smem:$0x3F97] =	sst s1;
	(tag) =	ssettag s2;
	_ =	strace s9  }
0x27: {  	s1 =	sld [smem:$0x3FA7]  }
0x28: {  	s2 =	sld [smem:$0x3FA8]  }
0x29: {  	s4 =	sld [smem:$0x3FAA]  }
0x2a: {  	p0 =	seq.s32 s5, $0x0;
	s5 =	sld [smem:$0x3FAB]  }
0x2b: {  	s6 =	sld [smem:$0x3FAC]  }
0x2c: {  	s7 =	sld [smem:$0x3FAD]  }
0x2d: {  	s3 =	simm.s32 $0x108;
	s8 =	sld [smem:$0x3FAE]  }
0x2e: {  	s3 =	simm.s32 @!p0 $0x1082;
	s9 =	sld [smem:$0x3FAF]  }
0x2f: {  	lr =	sadd.s32 s0, s3;
	s0 =	sld [smem:$0x3FA6]  }
0x30: {  	s3 =	sld [smem:$0x3FA9]  }
0x31: {  	[smem:$0x3FB2] =	sst s10  }
0x32: {  	s10 =	sld [smem:$0x3FB0];
	_ =	sdelay $0x3  }
0x33: {  	p0 =	seq.s32 s10, $0x1;
	s10 =	sld [smem:$0x3FB2];
	_ =	sdelay $0x3  }
0x34: {  	[smem:$0x3FB2] =	sst s10  }
0x35: {  	s10 =	sld [smem:$0x3FB1];
	_ =	sdelay $0x3  }
0x36: {  	p1 =	seq.s32 s10, $0x1;
	s10 =	sld [smem:$0x3FB2];
	_ =	sdelay $0x3  }
0x37: {  	[smem:$0x3FB2] =	sst s10  }
0x38: {  	s10 =	sld [smem:$0x3FB3]  }
0x39: {  	_ = 	snop;
	(pc) =	sbr.ind lr, $3  }
0x3a: {  	_ = 	snop  }
0x3b: {  	_ = 	snop  }
0x3c: {  	p2 =	seq.s32 s10, $0x1;
	s10 =	sld [smem:$0x3FB2]  }
0x3d: {  	_ =	shalt  }
0x3e: {  	_ =	shalt  }
0x3f: {  	_ =	shalt  }
0x40: {  	_ =	shalt  }
0x41: {  	_ =	shalt  }
0x42: {  	_ =	shalt  }
0x43: {  	_ =	shalt  }
0x44: {  	_ =	shalt  }
0x45: {  	_ =	shalt  }
0x46: {  	_ =	shalt  }
0x47: {  	_ =	shalt  }
0x48: {  	_ =	shalt  }
0x49: {  	_ =	shalt  }
0x4a: {  	_ =	shalt  }
0x4b: {  	_ =	shalt  }
0x4c: {  	_ =	shalt  }
0x4d: {  	_ =	shalt  }
0x4e: {  	_ =	shalt  }
0x4f: {  	_ =	shalt  }
0x50: {  	_ =	shalt  }
0x51: {  	_ =	shalt  }
0x52: {  	_ =	shalt  }
0x53: {  	_ =	shalt  }
0x54: {  	_ =	shalt  }
0x55: {  	_ =	shalt  }
0x56: {  	_ =	shalt  }
0x57: {  	_ =	shalt  }
0x58: {  	_ =	shalt  }
0x59: {  	_ =	shalt  }
0x5a: {  	_ =	shalt  }
0x5b: {  	_ =	shalt  }
0x5c: {  	_ =	shalt  }
0x5d: {  	_ =	shalt  }
0x5e: {  	_ =	shalt  }
0x5f: {  	_ =	shalt  }
0x60: {  	_ =	shalt  }
0x61: {  	_ =	shalt  }
0x62: {  	_ =	shalt  }
0x63: {  	_ =	shalt  }
0x64: {  	_ =	shalt  }
0x65: {  	_ =	shalt  }
0x66: {  	_ =	shalt  }
0x67: {  	_ =	shalt  }
0x68: {  	_ =	shalt  }
0x69: {  	_ =	shalt  }
0x6a: {  	_ =	shalt  }
0x6b: {  	_ =	shalt  }
0x6c: {  	_ =	shalt  }
0x6d: {  	_ =	shalt  }
0x6e: {  	_ =	shalt  }
0x6f: {  	_ =	shalt  }
0x70: {  	_ =	shalt  }
0x71: {  	_ =	shalt  }
0x72: {  	_ =	shalt  }
0x73: {  	_ =	shalt  }
0x74: {  	_ =	shalt  }
0x75: {  	_ =	shalt  }
0x76: {  	_ =	shalt  }
0x77: {  	_ =	shalt  }
0x78: {  	_ =	shalt  }
0x79: {  	_ =	shalt  }
0x7a: {  	_ =	shalt  }
0x7b: {  	_ =	shalt  }
0x7c: {  	_ =	shalt  }
0x7d: {  	_ =	shalt  }
0x7e: {  	_ =	shalt  }
0x7f: {  	_ =	shalt  }
0x80: {  	_ =	shalt  }
0x81: {  	_ =	shalt  }
0x82: {  	_ =	shalt  }
0x83: {  	_ =	shalt  }
0x84: {  	_ =	shalt  }
0x85: {  	_ =	shalt  }
0x86: {  	_ =	shalt  }
0x87: {  	_ =	shalt  }
.Lfunc_end0:
.L_simem_size_0:
called_computation_lowered:
.L_overlay_start_0:
0x88: {  	s2 =	sld [smem:$0x3FD9]  }
0x89: {  	s3 =	sld [smem:$0x3FFE];
	_ =	sdelay $0x1  }
0x8a: {  	s1 =	srdreg.scid  }
0x8b: {  	s0 =	sand.u32 $0x1, s1  }
0x8c: {  	s14 =	sshll.u32 s0, $0xA;
	s2 =	sadd.s32 s3, s2  }
0x8d: {  	s2 =	sadd.s32 s2, s14  }
0x8e: {  	[smem:$0x3FBE] =	sst s2  }
0x8f: {  	_ = 	snop  }
0x90: {  	s2 =	sld [smem:$0x3FD0];
	_ =	sdelay $0x2  }
0x91: {  	s15 =	simm.s32 $0xA;
	s4 =	simm.s32 $0x10  }
0x92: {  	[smem:s4], [sflag:s15] =	dma.local [hbm:s2], $0x1  }
0x93: {  	_ =	swait.eq [sflag:s15], $0x1  }
0x94: {  	s16 =	sld [smem:$0x10];
	[sflag:s15] =	ssyncset.done $0x0  }
0x95: {  	s17 =	sld [smem:$0x12];
	[sflag:s15] =	ssyncadd.s32 $0xFFFFFFFF  }
0x96: {  	s18 =	sld [smem:$0x13];
	(tm) =	ssettm $0x1  }
0x97: {  	s5 =	sld [smem:$0x3FFB];
	_ =	sdelay $0x3  }
0x98: {  	_ =	strace s5  }
0x99: {  	s5 =	sld [smem:$0x3FFC];
	_ =	sdelay $0x3  }
0x9a: {  	_ =	strace s5  }
0x9b: {  	s5 =	sld [smem:$0x3FFD];
	_ =	sdelay $0x3  }
0x9c: {  	_ =	strace s5  }
0x9d: {  	_ =	strace $0x8FFFFFFF  }
0x9e: {  	s19 =	sld [smem:$0x3FDB];
	_ =	sdelay $0x1  }
0x9f: {  	s6 =	simm.s32 $_scs_section_size  }
0xa0: {  	s7 =	simm.s32 $_size__tile_overlayer_lowered;
	s8 =	simm.s32 $_tile_overlayer_lowered  }
0xa1: {  	s22 =	simm.s32 $0x1BFF;
	s21 =	sshll.u32 s8, $0x1;
	s5 =	sadd.s32 s6, s19  }
0xa2: {  	s9 =	simm.s32 $0x0;
	s20 =	sshll.u32 s7, $0x1;
	s7 =	sadd.s32 s21, s5  }
0xa3: {  	[timem:s9], [sflag:s22] =	dma.local [hbm:s7], s20  }
0xa4: {  	_ =	swait.ge [sflag:s22], s20  }
0xa5: {  	s6 =	ssub.s32 $0x0, s20;
	[sflag:s22] =	ssyncset.done $0x0  }
0xa6: {  	[sflag:s22] =	ssyncadd.s32 s6;
	_ =	sdelay $0x1  }
0xa7: {  	s23 =	simm.s32 $0x1B8B  }
0xa8: {  	_ =	swait.ge [sflag:s23], $0x1  }
0xa9: {  	[sflag:s23] =	ssyncset.done $0x0  }
0xaa: {  	s25 =	simm.s32 $0x1B8E;
	s24 =	sld [smem:$0x3FFE];
	[sflag:s23] =	ssyncadd.s32 $0xFFFFFFFF  }
0xab: {  	s26 =	simm.s32 $execute0_lowered;
	[smem:$0x3FD2] =	sst s25  }
0xac: {  	s7 =	sshll.u32 s26, $0x1;
	_ =	strace $0x80000046;
	[dreg:$0x1] =	wrdreg $0xFFFFFFFF  }
0xad: {  	s28 =	simm.s32 $_size_execute0_lowered;
	s5 =	sadd.s32 s5, s7;
	[dreg:$0x0] =	wrdreg $0x0  }
0xae: {  	s7 =	sshll.u32 s28, $0x1;
	[dreg:$0x2] =	wrdreg s5  }
0xaf: {  	[dreg:$0x3] =	wrdreg s7  }
0xb0: {  	[dreg:$0x4] =	wrdreg $0xC0  }
0xb1: {  	_ =	task [dreg:s9], $0x5FFFF  }
0xb2: {  	[dreg:$0x1] =	wrdreg $0xFFFFFFFF  }
0xb3: {  	[dreg:$0x0] =	wrdreg $0x60  }
0xb4: {  	[dreg:$0x2] =	wrdreg s18  }
0xb5: {  	[dreg:$0x3] =	wrdreg s16  }
0xb6: {  	[dreg:$0x4] =	wrdreg s24  }
0xb7: {  	[dreg:$0x5] =	wrdreg s17  }
0xb8: {  	[dreg:$0x6] =	wrdreg $0x100800  }
0xb9: {  	[dreg:$0x7] =	wrdreg $0x9  }
0xba: {  	_ =	task.clear_ibuf [dreg:s9], $0x8FFFF;
	_ =	strace $0x90000046  }
0xbb: {  	s29 =	simm.s32 $0x9;
	_ =	strace $0x80000048  }
0xbc: {  	_ =	swait.ge [sflag:s29], $0x1  }
0xbd: {  	[sflag:s29] =	ssyncadd.s32 $0xFFFFFFFF  }
0xbe: {  	_ =	strace $0x90000048  }
0xbf: {  	_ =	sfence  }
0xc0: {  	s30 =	sld [smem:$0x0];
	_ =	sdelay $0x2  }
0xc1: {  	s31 =	sshll.u32 s1, $0xD;
	s1 =	sshrl.u32 s1, $0x2  }
0xc2: {  	s3 =	sand.u32 $0x4000, s31;
	s1 =	sadd.s32 s1, s30  }
0xc3: {  	s0 =	sor.u32 s3, s0;
	s1 =	sshll.u32 s1, $0x11  }
0xc4: {  	s0 =	sor.u32 s1, s0  }
0xc5: {  	s0 =	sadd.s32 $0x8F2B, s0  }
0xc6: {  	[sflag:s0] =	ssyncadd.remote.s32 $0x1  }
0xc7: {  	_ =	sfence.sel $0xFFFF  }
0xc8: {  	[dreg:$0x0] =	wrdreg $0xFFFFFFFF;
	(pc) =	sbr.abs _section_cstart, $3  }
0xc9: {  	[dreg:$0x1] =	wrdreg $0xFFFFFFFF  }
0xca: {  	_ =	task.clear_ibuf [dreg:s9], $0x2FFFF;
	_ =	strace $0x9FFFFFFF  }
0xcb: {  	(tm) =	ssettm $0x7FFFFFFF  }
tec
execute0_lowered:
.L_overlay_start_1:
0x0: {  	(tag) =	ssettag $0x1  }
0x1: {  	s3 =	rddreg [dreg:$0x0]  }
0x2: {  	s4 =	rddreg [dreg:$0x1]  }
0x3: {  	s5 =	rddreg [dreg:$0x2]  }
0x4: {  	s6 =	rddreg [dreg:$0x3]  }
0x5: {  	s9 =	rddreg [dreg:$0x4]  }
0x6: {  	s0 =	rddreg [dreg:$0x5];
	s2 =	srdreg.scid;
	s1 =	simm.s32 $0x0  }
0x7: {  	s7 =	stileid.u32;
	s16 =	simm.s32 $0x4080;
	s11 =	sand.u32 $0x1, s2  }
0x8: {  	s14 =	simm.s32 $0x8080;
	p1 =	por $0x0, $0x0;
	s12 =	ssub.s32 $0x2, s11  }
0x9: {  	[smem:$0x7FF] =	sst s1;
	s29 =	sshll.u32 s7, $0xA;
	s13 =	sshrl.u32 s12, $0x1  }
0xa: {  	s17 =	sadd.s32 $0x6200, s5;
	s2 =	sadd.s32 $0x2200, s5;
	s12 =	ssub.s32 s12, s13  }
0xb: {  	p0 =	sne.s32 s7, $0x0;
	s7 =	simm.s32 $0x80;
	s31 =	smax.u32 s12, $0x1  }
0xc: {  	s8 =	sshll.u32 s11, $0x9;
	_ =	strace $0x80000047;
	s21 =	sadd.s32 $0xFFFFFFFF, s31  }
0xd: {  	s30 =	sshll.u32 s11, $0xE;
	s8 =	sor.u32 s8, s29;
	p2 =	sne.s32 s21, $0x0  }
.Ltmp0:
0xe: {  	s11 =	simm.s32 $0x1;
	s10 =	sshll.u32 s8, $0x4;
	(pc) =	sbr.rel @!p2 .LBB2_3-.Ltmp0, $4  }
0xf: {  	s8 =	sshrl.u32 s8, $0x3;
	s5 =	sadd.s32 s10, s5;
	s18 =	sadd.s32 s4, s10  }
0x10: {  	s15 =	sadd.s32 s3, s8;
	s3 =	sadd.s32 s6, s30;
	s6 =	simm.s32 $0x2  }
0x11: {  	s12 =	simm.s32 $0xC080;
	s13 =	sadd.s32 $0x10, s15;
	s10 =	sadd.s32 $0x20, s15  }
0x12: {  	s8 =	sadd.s32 $0x30, s15;
	s4 =	sadd.s32 $0xA200, s5;
	s5 =	sshrl.u32 @!p0 s9, $0x3  }
0x13: {  	s20 =	simm.s32 @!p0 $0x1C02;
	s19 =	simm.s32 @!p0 $0x2  }
0x14: {  	[spmem:s5], [sflag:s20] =	dma.local @!p0 [hbm:s17], $0x4000  }
0x15: {  	_ =	swait.ge @!p0 [sflag:s19], $0x4000  }
0x16: {  	[sflag:s19] =	ssyncset.done @!p0 $0x0  }
0x17: {  	[sflag:s19] =	ssyncadd.s32 @!p0 $0xFFFFC000  }
0x18: {  	[bflag:$0x0] =	sbarrier.arrive $0xFFFF  }
0x19: {  	[tilespmem:s7], [sflag:$0x2] =	stream.linear.gather [hbm4b:s18+s1], $0x10000, $0x38;
	[tilespmem:$0x12080] =	vst v63  }
0x1a: {  	_ =	swait.ge [sflag:s6], $0x10000  }
0x1b: {  	[sflag:s6] =	ssyncset.done $0x0  }
0x1c: {  	[sflag:s6] =	ssyncadd.s32 $0xFFFF0000  }
0x1d: {  	[tilespmem:s1], [sflag:$0x2] =	stream.linear.gather [hbm4b:s15+s1], $0x80, $0x38;
	[tilespmem:$0x12080] =	vst v63  }
0x1e: {  	_ =	swait.ge [sflag:s6], $0x80  }
0x1f: {  	[sflag:s6] =	ssyncset.done $0x0  }
0x20: {  	[sflag:s6] =	ssyncadd.s32 $0xFFFFFF80  }
0x21: {  	[spmem:s9] =	stream.indirect.scatter.add.f32 [tilespmem:s7], [sflag:$0x2], $0x80, s1, s7, $0xb8;
	[tilespmem:$0x12080] =	vst v63  }
0x22: {  	_ =	swait.ge [sflag:s6], $0x4000  }
0x23: {  	[sflag:s6] =	ssyncset.done $0x0  }
0x24: {  	[sflag:s6] =	ssyncadd.s32 $0xFFFFC000  }
0x25: {  	[tilespmem:s1], [sflag:$0x2] =	stream.linear.gather [hbm4b:s13+s1], $0x80, $0x38;
	[tilespmem:$0x12080] =	vst v63  }
0x26: {  	_ =	swait.ge [sflag:s6], $0x80  }
0x27: {  	[sflag:s6] =	ssyncset.done $0x0  }
0x28: {  	[sflag:s6] =	ssyncadd.s32 $0xFFFFFF80  }
0x29: {  	[spmem:s9] =	stream.indirect.scatter.add.f32 [tilespmem:s16], [sflag:$0x2], $0x80, s1, s7, $0xb8;
	[tilespmem:$0x12080] =	vst v63  }
0x2a: {  	_ =	swait.ge [sflag:s6], $0x4000  }
0x2b: {  	[sflag:s6] =	ssyncset.done $0x0  }
0x2c: {  	[sflag:s6] =	ssyncadd.s32 $0xFFFFC000  }
0x2d: {  	[tilespmem:s1], [sflag:$0x2] =	stream.linear.gather [hbm4b:s10+s1], $0x80, $0x38;
	[tilespmem:$0x12080] =	vst v63  }
0x2e: {  	_ =	swait.ge [sflag:s6], $0x80  }
0x2f: {  	[sflag:s6] =	ssyncset.done $0x0  }
0x30: {  	[sflag:s6] =	ssyncadd.s32 $0xFFFFFF80  }
0x31: {  	[spmem:s9] =	stream.indirect.scatter.add.f32 [tilespmem:s14], [sflag:$0x2], $0x80, s1, s7, $0xb8;
	[tilespmem:$0x12080] =	vst v63  }
0x32: {  	_ =	swait.ge [sflag:s6], $0x4000  }
0x33: {  	[sflag:s6] =	ssyncset.done $0x0  }
0x34: {  	[sflag:s6] =	ssyncadd.s32 $0xFFFFC000  }
0x35: {  	[tilespmem:s1], [sflag:$0x2] =	stream.linear.gather [hbm4b:s8+s1], $0x80, $0x38;
	[tilespmem:$0x12080] =	vst v63  }
0x36: {  	_ =	swait.ge [sflag:s6], $0x80  }
0x37: {  	[sflag:s6] =	ssyncset.done $0x0  }
0x38: {  	[sflag:s6] =	ssyncadd.s32 $0xFFFFFF80  }
0x39: {  	[spmem:s9] =	stream.indirect.scatter.add.f32 [tilespmem:s12], [sflag:$0x2], $0x80, s1, s7, $0xb8;
	[tilespmem:$0x12080] =	vst v63  }
0x3a: {  	_ =	swait.ge [sflag:s6], $0x4000  }
0x3b: {  	[sflag:s6] =	ssyncset.done $0x0  }
0x3c: {  	[sflag:s6] =	ssyncadd.s32 $0xFFFFC000  }
0x3d: {  	[tilespmem:s1], [sflag:$0x2] =	stream.linear.gather [hbm4b:s15+s1], $0x80, $0x38;
	[tilespmem:$0x12080] =	vst v63  }
0x3e: {  	_ =	swait.ge [sflag:s6], $0x80  }
0x3f: {  	[sflag:s6] =	ssyncset.done $0x0  }
0x40: {  	[sflag:s6] =	ssyncadd.s32 $0xFFFFFF80  }
0x41: {  	[tilespmem:s7], [sflag:$0x1] =	stream.indirect.gather [hbm4b:s2+s7], $0x80, s1, s7, $0xb8;
	[tilespmem:$0x12080] =	vst v63  }
0x42: {  	_ =	swait.ge [sflag:s11], $0x4000  }
0x43: {  	[sflag:s11] =	ssyncset.done $0x0  }
0x44: {  	[sflag:s11] =	ssyncadd.s32 $0xFFFFC000  }
0x45: {  	[tilespmem:s1], [sflag:$0x2] =	stream.linear.gather [hbm4b:s13+s1], $0x80, $0x38;
	[tilespmem:$0x12080] =	vst v63  }
0x46: {  	_ =	swait.ge [sflag:s6], $0x80  }
0x47: {  	[sflag:s6] =	ssyncset.done $0x0  }
0x48: {  	[sflag:s6] =	ssyncadd.s32 $0xFFFFFF80  }
0x49: {  	[tilespmem:s16], [sflag:$0x1] =	stream.indirect.gather [hbm4b:s2+s7], $0x80, s1, s7, $0xb8;
	[tilespmem:$0x12080] =	vst v63  }
0x4a: {  	_ =	swait.ge [sflag:s11], $0x4000  }
0x4b: {  	[sflag:s11] =	ssyncset.done $0x0  }
0x4c: {  	[sflag:s11] =	ssyncadd.s32 $0xFFFFC000  }
0x4d: {  	[tilespmem:s1], [sflag:$0x2] =	stream.linear.gather [hbm4b:s10+s1], $0x80, $0x38;
	[tilespmem:$0x12080] =	vst v63  }
0x4e: {  	_ =	swait.ge [sflag:s6], $0x80  }
0x4f: {  	[sflag:s6] =	ssyncset.done $0x0  }
0x50: {  	[sflag:s6] =	ssyncadd.s32 $0xFFFFFF80  }
0x51: {  	[tilespmem:s14], [sflag:$0x1] =	stream.indirect.gather [hbm4b:s2+s7], $0x80, s1, s7, $0xb8;
	[tilespmem:$0x12080] =	vst v63  }
0x52: {  	_ =	swait.ge [sflag:s11], $0x4000  }
0x53: {  	[sflag:s11] =	ssyncset.done $0x0  }
0x54: {  	[sflag:s11] =	ssyncadd.s32 $0xFFFFC000  }
0x55: {  	[tilespmem:s1], [sflag:$0x2] =	stream.linear.gather [hbm4b:s8+s1], $0x80, $0x38;
	[tilespmem:$0x12080] =	vst v63  }
0x56: {  	_ =	swait.ge [sflag:s6], $0x80  }
0x57: {  	[sflag:s6] =	ssyncset.done $0x0  }
0x58: {  	[sflag:s6] =	ssyncadd.s32 $0xFFFFFF80  }
0x59: {  	[tilespmem:s12], [sflag:$0x1] =	stream.indirect.gather [hbm4b:s2+s7], $0x80, s1, s7, $0xb8;
	[tilespmem:$0x12080] =	vst v63  }
0x5a: {  	_ =	swait.ge [sflag:s11], $0x4000  }
0x5b: {  	[sflag:s11] =	ssyncset.done $0x0  }
0x5c: {  	[sflag:s11] =	ssyncadd.s32 $0xFFFFC000  }
0x5d: {  	[hbm4b:s4+s1] =	stream.linear.scatter [tilespmem:s7], [sflag:$0x2], $0x10000, $0x38;
	[tilespmem:$0x12080] =	vst v63  }
0x5e: {  	s21 =	sadd.s32 $0xFFFFFFFF, s21;
	_ =	swait.ge [sflag:s6], $0x10000  }
0x5f: {  	p2 =	sne.s32 s21, $0x0;
	[sflag:s6] =	ssyncset.done $0x0  }
.Ltmp1:
0x60: {  	[sflag:s6] =	ssyncadd.s32 $0xFFFF0000;
	(pc) =	sbr.rel @!p2 .LBB2_3-.Ltmp1, $4  }
0x61: {  	[bflag:$0x0] =	sbarrier.arrive $0xFFFF  }
0x62: {  	[hbm:s3], [sflag:s20] =	dma.local @!p0 [spmem:s5], $0x4000  }
0x63: {  	_ =	swait.ge @!p0 [sflag:s19], $0x4000  }
0x64: {  	p1 =	por $0x1, $0x1;
	[sflag:s19] =	ssyncset.done @!p0 $0x0  }
.LBB2_2:
0x65: {  	[sflag:s19] =	ssyncadd.s32 @!p0 $0xFFFFC000  }
0x66: {  	[spmem:s5], [sflag:s20] =	dma.local @!p0 [hbm:s17], $0x4000  }
0x67: {  	s21 =	sadd.s32 $0xFFFFFFFF, s21;
	_ =	swait.ge @!p0 [sflag:s19], $0x4000  }
0x68: {  	p2 =	sne.s32 s21, $0x0;
	[sflag:s19] =	ssyncset.done @!p0 $0x0  }
0x69: {  	[sflag:s19] =	ssyncadd.s32 @!p0 $0xFFFFC000  }
0x6a: {  	[bflag:$0x0] =	sbarrier.arrive $0xFFFF  }
0x6b: {  	[tilespmem:s7], [sflag:$0x2] =	stream.linear.gather [hbm4b:s18+s1], $0x10000, $0x38;
	[tilespmem:$0x12080] =	vst v63  }
0x6c: {  	_ =	swait.ge [sflag:s6], $0x10000  }
0x6d: {  	[sflag:s6] =	ssyncset.done $0x0  }
0x6e: {  	[sflag:s6] =	ssyncadd.s32 $0xFFFF0000  }
0x6f: {  	[tilespmem:s1], [sflag:$0x2] =	stream.linear.gather [hbm4b:s15+s1], $0x80, $0x38;
	[tilespmem:$0x12080] =	vst v63  }
0x70: {  	_ =	swait.ge [sflag:s6], $0x80  }
0x71: {  	[sflag:s6] =	ssyncset.done $0x0  }
0x72: {  	[sflag:s6] =	ssyncadd.s32 $0xFFFFFF80  }
0x73: {  	[spmem:s9] =	stream.indirect.scatter.add.f32 [tilespmem:s7], [sflag:$0x2], $0x80, s1, s7, $0xb8;
	[tilespmem:$0x12080] =	vst v63  }
0x74: {  	_ =	swait.ge [sflag:s6], $0x4000  }
0x75: {  	[sflag:s6] =	ssyncset.done $0x0  }
0x76: {  	[sflag:s6] =	ssyncadd.s32 $0xFFFFC000  }
0x77: {  	[tilespmem:s1], [sflag:$0x2] =	stream.linear.gather [hbm4b:s13+s1], $0x80, $0x38;
	[tilespmem:$0x12080] =	vst v63  }
0x78: {  	_ =	swait.ge [sflag:s6], $0x80  }
0x79: {  	[sflag:s6] =	ssyncset.done $0x0  }
0x7a: {  	[sflag:s6] =	ssyncadd.s32 $0xFFFFFF80  }
0x7b: {  	[spmem:s9] =	stream.indirect.scatter.add.f32 [tilespmem:s16], [sflag:$0x2], $0x80, s1, s7, $0xb8;
	[tilespmem:$0x12080] =	vst v63  }
0x7c: {  	_ =	swait.ge [sflag:s6], $0x4000  }
0x7d: {  	[sflag:s6] =	ssyncset.done $0x0  }
0x7e: {  	[sflag:s6] =	ssyncadd.s32 $0xFFFFC000  }
0x7f: {  	[tilespmem:s1], [sflag:$0x2] =	stream.linear.gather [hbm4b:s10+s1], $0x80, $0x38;
	[tilespmem:$0x12080] =	vst v63  }
0x80: {  	_ =	swait.ge [sflag:s6], $0x80  }
0x81: {  	[sflag:s6] =	ssyncset.done $0x0  }
0x82: {  	[sflag:s6] =	ssyncadd.s32 $0xFFFFFF80  }
0x83: {  	[spmem:s9] =	stream.indirect.scatter.add.f32 [tilespmem:s14], [sflag:$0x2], $0x80, s1, s7, $0xb8;
	[tilespmem:$0x12080] =	vst v63  }
0x84: {  	_ =	swait.ge [sflag:s6], $0x4000  }
0x85: {  	[sflag:s6] =	ssyncset.done $0x0  }
0x86: {  	[sflag:s6] =	ssyncadd.s32 $0xFFFFC000  }
0x87: {  	[tilespmem:s1], [sflag:$0x2] =	stream.linear.gather [hbm4b:s8+s1], $0x80, $0x38;
	[tilespmem:$0x12080] =	vst v63  }
0x88: {  	_ =	swait.ge [sflag:s6], $0x80  }
0x89: {  	[sflag:s6] =	ssyncset.done $0x0  }
0x8a: {  	[sflag:s6] =	ssyncadd.s32 $0xFFFFFF80  }
0x8b: {  	[spmem:s9] =	stream.indirect.scatter.add.f32 [tilespmem:s12], [sflag:$0x2], $0x80, s1, s7, $0xb8;
	[tilespmem:$0x12080] =	vst v63  }
0x8c: {  	_ =	swait.ge [sflag:s6], $0x4000  }
0x8d: {  	[sflag:s6] =	ssyncset.done $0x0  }
0x8e: {  	[sflag:s6] =	ssyncadd.s32 $0xFFFFC000  }
0x8f: {  	[tilespmem:s1], [sflag:$0x2] =	stream.linear.gather [hbm4b:s15+s1], $0x80, $0x38;
	[tilespmem:$0x12080] =	vst v63  }
0x90: {  	_ =	swait.ge [sflag:s6], $0x80  }
0x91: {  	[sflag:s6] =	ssyncset.done $0x0  }
0x92: {  	[sflag:s6] =	ssyncadd.s32 $0xFFFFFF80  }
0x93: {  	[tilespmem:s7], [sflag:$0x1] =	stream.indirect.gather [hbm4b:s2+s7], $0x80, s1, s7, $0xb8;
	[tilespmem:$0x12080] =	vst v63  }
0x94: {  	_ =	swait.ge [sflag:s11], $0x4000  }
0x95: {  	[sflag:s11] =	ssyncset.done $0x0  }
0x96: {  	[sflag:s11] =	ssyncadd.s32 $0xFFFFC000  }
0x97: {  	[tilespmem:s1], [sflag:$0x2] =	stream.linear.gather [hbm4b:s13+s1], $0x80, $0x38;
	[tilespmem:$0x12080] =	vst v63  }
0x98: {  	_ =	swait.ge [sflag:s6], $0x80  }
0x99: {  	[sflag:s6] =	ssyncset.done $0x0  }
0x9a: {  	[sflag:s6] =	ssyncadd.s32 $0xFFFFFF80  }
0x9b: {  	[tilespmem:s16], [sflag:$0x1] =	stream.indirect.gather [hbm4b:s2+s7], $0x80, s1, s7, $0xb8;
	[tilespmem:$0x12080] =	vst v63  }
0x9c: {  	_ =	swait.ge [sflag:s11], $0x4000  }
0x9d: {  	[sflag:s11] =	ssyncset.done $0x0  }
0x9e: {  	[sflag:s11] =	ssyncadd.s32 $0xFFFFC000  }
0x9f: {  	[tilespmem:s1], [sflag:$0x2] =	stream.linear.gather [hbm4b:s10+s1], $0x80, $0x38;
	[tilespmem:$0x12080] =	vst v63  }
0xa0: {  	_ =	swait.ge [sflag:s6], $0x80  }
0xa1: {  	[sflag:s6] =	ssyncset.done $0x0  }
0xa2: {  	[sflag:s6] =	ssyncadd.s32 $0xFFFFFF80  }
0xa3: {  	[tilespmem:s14], [sflag:$0x1] =	stream.indirect.gather [hbm4b:s2+s7], $0x80, s1, s7, $0xb8;
	[tilespmem:$0x12080] =	vst v63  }
0xa4: {  	_ =	swait.ge [sflag:s11], $0x4000  }
0xa5: {  	[sflag:s11] =	ssyncset.done $0x0  }
0xa6: {  	[sflag:s11] =	ssyncadd.s32 $0xFFFFC000  }
0xa7: {  	[tilespmem:s1], [sflag:$0x2] =	stream.linear.gather [hbm4b:s8+s1], $0x80, $0x38;
	[tilespmem:$0x12080] =	vst v63  }
0xa8: {  	_ =	swait.ge [sflag:s6], $0x80  }
0xa9: {  	[sflag:s6] =	ssyncset.done $0x0  }
0xaa: {  	[sflag:s6] =	ssyncadd.s32 $0xFFFFFF80  }
0xab: {  	[tilespmem:s12], [sflag:$0x1] =	stream.indirect.gather [hbm4b:s2+s7], $0x80, s1, s7, $0xb8;
	[tilespmem:$0x12080] =	vst v63  }
0xac: {  	_ =	swait.ge [sflag:s11], $0x4000  }
0xad: {  	[sflag:s11] =	ssyncset.done $0x0  }
0xae: {  	[sflag:s11] =	ssyncadd.s32 $0xFFFFC000  }
0xaf: {  	[hbm4b:s4+s1] =	stream.linear.scatter [tilespmem:s7], [sflag:$0x2], $0x10000, $0x38;
	[tilespmem:$0x12080] =	vst v63  }
0xb0: {  	_ =	swait.ge [sflag:s6], $0x10000  }
0xb1: {  	[sflag:s6] =	ssyncset.done $0x0  }
.Ltmp2:
0xb2: {  	[sflag:s6] =	ssyncadd.s32 $0xFFFF0000;
	(pc) =	sbr.rel @p2 .LBB2_2-.Ltmp2, $4  }
0xb3: {  	[bflag:$0x0] =	sbarrier.arrive $0xFFFF  }
0xb4: {  	[hbm:s3], [sflag:s20] =	dma.local @!p0 [spmem:s5], $0x4000  }
0xb5: {  	_ =	swait.ge @!p0 [sflag:s19], $0x4000  }
0xb6: {  	[sflag:s19] =	ssyncset.done @!p0 $0x0  }
.LBB2_3:
0xb7: {  	p1 =	por p0, !p1  }
0xb8: {  	s21 =	simm.s32 @!p0 $0x1C02;
	s20 =	simm.s32 @!p0 $0x2;
	[sflag:s19] =	ssyncadd.s32 @!p1 $0xFFFFC000  }
0xb9: {  	[spmem:s5], [sflag:s21] =	dma.local @!p0 [hbm:s17], $0x4000  }
0xba: {  	_ =	swait.ge @!p0 [sflag:s20], $0x4000  }
0xbb: {  	[sflag:s20] =	ssyncset.done @!p0 $0x0  }
0xbc: {  	[sflag:s20] =	ssyncadd.s32 @!p0 $0xFFFFC000  }
0xbd: {  	[bflag:$0x0] =	sbarrier.arrive $0xFFFF  }
0xbe: {  	[tilespmem:s7], [sflag:$0x2] =	stream.linear.gather [hbm4b:s18+s1], $0x10000, $0x38;
	[tilespmem:$0x12080] =	vst v63  }
0xbf: {  	_ =	swait.ge [sflag:s6], $0x10000  }
0xc0: {  	[sflag:s6] =	ssyncset.done $0x0  }
0xc1: {  	[sflag:s6] =	ssyncadd.s32 $0xFFFF0000  }
0xc2: {  	[tilespmem:s1], [sflag:$0x2] =	stream.linear.gather [hbm4b:s15+s1], $0x80, $0x38;
	[tilespmem:$0x12080] =	vst v63  }
0xc3: {  	_ =	swait.ge [sflag:s6], $0x80  }
0xc4: {  	[sflag:s6] =	ssyncset.done $0x0  }
0xc5: {  	[sflag:s6] =	ssyncadd.s32 $0xFFFFFF80  }
0xc6: {  	[spmem:s9] =	stream.indirect.scatter.add.f32 [tilespmem:s7], [sflag:$0x2], $0x80, s1, s7, $0xb8;
	[tilespmem:$0x12080] =	vst v63  }
0xc7: {  	_ =	swait.ge [sflag:s6], $0x4000  }
0xc8: {  	[sflag:s6] =	ssyncset.done $0x0  }
0xc9: {  	[sflag:s6] =	ssyncadd.s32 $0xFFFFC000  }
0xca: {  	[tilespmem:s1], [sflag:$0x2] =	stream.linear.gather [hbm4b:s13+s1], $0x80, $0x38;
	[tilespmem:$0x12080] =	vst v63  }
0xcb: {  	_ =	swait.ge [sflag:s6], $0x80  }
0xcc: {  	[sflag:s6] =	ssyncset.done $0x0  }
0xcd: {  	[sflag:s6] =	ssyncadd.s32 $0xFFFFFF80  }
0xce: {  	[spmem:s9] =	stream.indirect.scatter.add.f32 [tilespmem:s16], [sflag:$0x2], $0x80, s1, s7, $0xb8;
	[tilespmem:$0x12080] =	vst v63  }
0xcf: {  	_ =	swait.ge [sflag:s6], $0x4000  }
0xd0: {  	[sflag:s6] =	ssyncset.done $0x0  }
0xd1: {  	[sflag:s6] =	ssyncadd.s32 $0xFFFFC000  }
0xd2: {  	[tilespmem:s1], [sflag:$0x2] =	stream.linear.gather [hbm4b:s10+s1], $0x80, $0x38;
	[tilespmem:$0x12080] =	vst v63  }
0xd3: {  	_ =	swait.ge [sflag:s6], $0x80  }
0xd4: {  	[sflag:s6] =	ssyncset.done $0x0  }
0xd5: {  	[sflag:s6] =	ssyncadd.s32 $0xFFFFFF80  }
0xd6: {  	[spmem:s9] =	stream.indirect.scatter.add.f32 [tilespmem:s14], [sflag:$0x2], $0x80, s1, s7, $0xb8;
	[tilespmem:$0x12080] =	vst v63  }
0xd7: {  	_ =	swait.ge [sflag:s6], $0x4000  }
0xd8: {  	[sflag:s6] =	ssyncset.done $0x0  }
0xd9: {  	[sflag:s6] =	ssyncadd.s32 $0xFFFFC000  }
0xda: {  	[tilespmem:s1], [sflag:$0x2] =	stream.linear.gather [hbm4b:s8+s1], $0x80, $0x38;
	[tilespmem:$0x12080] =	vst v63  }
0xdb: {  	_ =	swait.ge [sflag:s6], $0x80  }
0xdc: {  	[sflag:s6] =	ssyncset.done $0x0  }
0xdd: {  	[sflag:s6] =	ssyncadd.s32 $0xFFFFFF80  }
0xde: {  	[spmem:s9] =	stream.indirect.scatter.add.f32 [tilespmem:s12], [sflag:$0x2], $0x80, s1, s7, $0xb8;
	[tilespmem:$0x12080] =	vst v63  }
0xdf: {  	_ =	swait.ge [sflag:s6], $0x4000  }
0xe0: {  	[sflag:s6] =	ssyncset.done $0x0  }
0xe1: {  	[sflag:s6] =	ssyncadd.s32 $0xFFFFC000  }
0xe2: {  	[tilespmem:s1], [sflag:$0x2] =	stream.linear.gather [hbm4b:s15+s1], $0x80, $0x38;
	[tilespmem:$0x12080] =	vst v63  }
0xe3: {  	_ =	swait.ge [sflag:s6], $0x80  }
0xe4: {  	[sflag:s6] =	ssyncset.done $0x0  }
0xe5: {  	[sflag:s6] =	ssyncadd.s32 $0xFFFFFF80  }
0xe6: {  	[tilespmem:s7], [sflag:$0x1] =	stream.indirect.gather [hbm4b:s2+s7], $0x80, s1, s7, $0xb8;
	[tilespmem:$0x12080] =	vst v63  }
0xe7: {  	_ =	swait.ge [sflag:s11], $0x4000  }
0xe8: {  	[sflag:s11] =	ssyncset.done $0x0  }
0xe9: {  	[sflag:s11] =	ssyncadd.s32 $0xFFFFC000  }
0xea: {  	[tilespmem:s1], [sflag:$0x2] =	stream.linear.gather [hbm4b:s13+s1], $0x80, $0x38;
	[tilespmem:$0x12080] =	vst v63  }
0xeb: {  	_ =	swait.ge [sflag:s6], $0x80  }
0xec: {  	[sflag:s6] =	ssyncset.done $0x0  }
0xed: {  	[sflag:s6] =	ssyncadd.s32 $0xFFFFFF80  }
0xee: {  	[tilespmem:s16], [sflag:$0x1] =	stream.indirect.gather [hbm4b:s2+s7], $0x80, s1, s7, $0xb8;
	[tilespmem:$0x12080] =	vst v63  }
0xef: {  	_ =	swait.ge [sflag:s11], $0x4000  }
0xf0: {  	[sflag:s11] =	ssyncset.done $0x0  }
0xf1: {  	[sflag:s11] =	ssyncadd.s32 $0xFFFFC000  }
0xf2: {  	[tilespmem:s1], [sflag:$0x2] =	stream.linear.gather [hbm4b:s10+s1], $0x80, $0x38;
	[tilespmem:$0x12080] =	vst v63  }
0xf3: {  	_ =	swait.ge [sflag:s6], $0x80  }
0xf4: {  	[sflag:s6] =	ssyncset.done $0x0  }
0xf5: {  	[sflag:s6] =	ssyncadd.s32 $0xFFFFFF80  }
0xf6: {  	[tilespmem:s14], [sflag:$0x1] =	stream.indirect.gather [hbm4b:s2+s7], $0x80, s1, s7, $0xb8;
	[tilespmem:$0x12080] =	vst v63  }
0xf7: {  	_ =	swait.ge [sflag:s11], $0x4000  }
0xf8: {  	[sflag:s11] =	ssyncset.done $0x0  }
0xf9: {  	[sflag:s11] =	ssyncadd.s32 $0xFFFFC000  }
0xfa: {  	[tilespmem:s1], [sflag:$0x2] =	stream.linear.gather [hbm4b:s8+s1], $0x80, $0x38;
	[tilespmem:$0x12080] =	vst v63  }
0xfb: {  	_ =	swait.ge [sflag:s6], $0x80  }
0xfc: {  	[sflag:s6] =	ssyncset.done $0x0  }
0xfd: {  	[sflag:s6] =	ssyncadd.s32 $0xFFFFFF80  }
0xfe: {  	[tilespmem:s12], [sflag:$0x1] =	stream.indirect.gather [hbm4b:s2+s7], $0x80, s1, s7, $0xb8;
	[tilespmem:$0x12080] =	vst v63  }
0xff: {  	_ =	swait.ge [sflag:s11], $0x4000  }
0x100: {  	[sflag:s11] =	ssyncset.done $0x0  }
0x101: {  	[sflag:s11] =	ssyncadd.s32 $0xFFFFC000  }
0x102: {  	[hbm4b:s4+s1] =	stream.linear.scatter [tilespmem:s7], [sflag:$0x2], $0x10000, $0x38;
	[tilespmem:$0x12080] =	vst v63  }
0x103: {  	_ =	swait.ge [sflag:s6], $0x10000  }
0x104: {  	[sflag:s6] =	ssyncset.done $0x0  }
0x105: {  	[sflag:s6] =	ssyncadd.s32 $0xFFFF0000  }
0x106: {  	[bflag:$0x0] =	sbarrier.arrive $0xFFFF  }
0x107: {  	[hbm:s3], [sflag:s21] =	dma.local @!p0 [spmem:s5], $0x4000  }
0x108: {  	_ =	swait.ge @!p0 [sflag:s20], $0x4000  }
0x109: {  	[sflag:s20] =	ssyncset.done @!p0 $0x0  }
0x10a: {  	[sflag:s20] =	ssyncadd.s32 @!p0 $0xFFFFC000  }
0x10b: {  	_ =	sfence.sel $0x180000  }
0x10c: {  	[bflag:$0x0] =	sbarrier.arrive $0xFFFF  }
0x10d: {  	_ =	strace $0x90000047  }
0x10e: {  	s0 =	sadd.s32 @!p0 $0x100000, s0;
	[bflag:$0x2] =	sbarrier.arrive $0xFFFF  }
0x10f: {  	[sflag:s0] =	ssyncadd.tile.s32 @!p0 $0x1;
	_ =	shalt  }
.Lfunc_end2:
_tile_overlayer_lowered:
.L_overlay_start_2:
0x110: {  	(tag) =	ssettag $0x2  }
0x111: {  	s0 =	rddreg [dreg:$0x0];
	s2 =	stileid.u32  }
0x112: {  	s1 =	rddreg [dreg:$0x1];
	p0 =	sne.s32 s2, $0x0  }
0x113: {  	s3 =	rddreg [dreg:$0x2];
	[bflag:$0x3] =	sbarrier.arrive $0xFFFF;
	s2 =	simm.s32 @!p0 $0x1C02  }
0x114: {  	[timem:s3], [sflag:s2] =	dma.local @!p0 [hbm:s0], s1  }
0x115: {  	s0 =	simm.s32 @!p0 $0x2  }
0x116: {  	_ =	swait.ge @!p0 [sflag:s0], s1  }
0x117: {  	s1 =	ssub.s32 @!p0 $0x0, s1;
	[sflag:s0] =	ssyncset.done @!p0 $0x0  }
0x118: {  	[sflag:s0] =	ssyncadd.s32 @!p0 s1  }
0x119: {  	[bflag:$0x3] =	sbarrier.arrive $0xFFFF  }
0x11a: {  	_ =	shalt  }

</sc_bundles>
